<compile_context>
chip_gen: v7x
topology: tpu7x:2x2x1
jax: 0.10.2.dev20260603
libtpu: 0.0.44.dev20260713+nightly
codegen_flags: <defaults>
</compile_context>

<pallas_src>
import jax
import jax.numpy as jnp
from jax import lax
from jax.experimental import pallas as pl
from jax.experimental.pallas import tpu as pltpu, tpu_sc as plsc

N = 320000
S = 8
H = 128
NUM_NODES = 10000
EMB_ROWS = 2 ** (S + 1)
KEYSPACE = NUM_NODES * 256
HALF = KEYSPACE // 2
TBL = HALF + 128
KROWS = N // 128
KROWS_PAD = 2560

_GB = 4000
_GRID = N // _GB


def _counts_body(key_hbm, out_hbm, tbl, kb, idx2, ones, zb, sem):
    c = lax.axis_index("c")
    s = lax.axis_index("s")
    half = jnp.int32(HALF)
    dump = jnp.full((16,), HALF, jnp.int32)

    def _zb(i, _):
        zb[pl.ds(i * 16, 16)] = jnp.zeros((16,), jnp.int32)
        return 0
    lax.fori_loop(0, 512, _zb, 0)
    zoff = s * 80008
    zchunks = ((0, 8192), (8192, 8192), (16384, 8192), (24576, 8192),
               (32768, 8192), (40960, 8192), (49152, 8192),
               (57344, 8192), (65536, 8192), (73728, 6280))
    for off, sz in zchunks:
        pltpu.async_copy(zb.at[pl.ds(0, sz)], tbl.at[pl.ds(zoff + off, sz)],
                         sem)
    for off, sz in zchunks:
        pltpu.make_async_copy(zb.at[pl.ds(0, sz)],
                              tbl.at[pl.ds(zoff + off, sz)], sem).wait()
    for l in range(8):
        ones[pl.ds(l * 16, 16)] = jnp.ones((16,), jnp.int32)
    plsc.subcore_barrier()

    pltpu.sync_copy(key_hbm.at[pl.ds(s * 160, 160)], kb)

    def _row(j, _):
        for l in range(8):
            kv = kb[j, pl.ds(l * 16, 16)]
            lk = kv - c * half
            ok = (lk >= 0) & (lk < half)
            idx2[j, pl.ds(l * 16, 16)] = jnp.where(ok, lk, dump)
        return 0
    lax.fori_loop(0, 160, _row, 0)

    def _fire(j, _):
        pltpu.async_copy(ones, tbl.at[idx2.at[j]], sem, add=True)
        return 0
    lax.fori_loop(0, 160, _fire, 0)

    def _drain(j, _):
        pltpu.make_async_copy(ones, tbl.at[idx2.at[j]], sem).wait()
        return 0
    lax.fori_loop(0, 160, _drain, 0)
    plsc.subcore_barrier()

    pltpu.sync_copy(tbl.at[pl.ds(s * 80000, 80000)],
                    out_hbm.at[pl.ds(c * HALF + s * 80000, 80000)])


@jax.jit
def _sc_counts(key2d):
    mesh = plsc.VectorSubcoreMesh(core_axis_name="c", subcore_axis_name="s")
    return pl.kernel(
        _counts_body,
        out_type=jax.ShapeDtypeStruct((KEYSPACE,), jnp.int32),
        mesh=mesh,
        scratch_types=[
            pltpu.VMEM_SHARED((TBL,), jnp.int32),
            pltpu.VMEM((160, 128), jnp.int32),
            pltpu.VMEM((160, 128), jnp.int32),
            pltpu.VMEM((128,), jnp.int32),
            pltpu.VMEM((8192,), jnp.int32),
            pltpu.SemaphoreType.DMA,
        ],
    )(key2d)


CCAP = 10240


def _k2_body(key_hbm, ord_hbm, cnt_hbm,
             idx_hbm, ck_hbm, cd_hbm, cp_hbm, cc_hbm,
             kb, ob, cnb, cib, ib, ck0, ck1, cd0, cd1, cp0, cp1, ccv,
             cnt_smem, sem):
    c = lax.axis_index("c")
    s = lax.axis_index("s")
    w = c * 16 + s
    half = jnp.int32(HALF)
    iota = lax.iota(jnp.int32, 16)
    _B15 = jnp.full((16,), 15, jnp.int32)

    @pl.when(s == 0)
    def _():
        cnt_smem[0] = jnp.int32(0)
        cnt_smem[1] = jnp.int32(0)
    plsc.subcore_barrier()

    pltpu.sync_copy(key_hbm.at[pl.ds(w * 80, 80)], kb)
    pltpu.sync_copy(ord_hbm.at[pl.ds(w * 80, 80)], ob)

    def _cidx(j, _):
        for l in range(8):
            kv = kb[j, pl.ds(l * 16, 16)]
            cib[j, pl.ds(l * 16, 16)] = jnp.maximum(kv, 0)
        return 0
    lax.fori_loop(0, 80, _cidx, 0)

    def _fire(j, _):
        pltpu.async_copy(cnt_hbm.at[cib.at[j]], cnb.at[j], sem)
        return 0
    lax.fori_loop(0, 80, _fire, 0)

    def _drain(j, _):
        pltpu.make_async_copy(cnt_hbm.at[cib.at[j]], cnb.at[j], sem).wait()
        return 0
    lax.fori_loop(0, 80, _drain, 0)

    def _row(j, carry):
        co0, co1 = carry
        for l in range(8):
            kv = kb[j, pl.ds(l * 16, 16)]
            ov = ob[j, pl.ds(l * 16, 16)]
            cv = cnb[j, pl.ds(l * 16, 16)]
            pos = w * 10240 + j * 128 + l * 16 + iota
            valid = kv >= 0
            single = valid & (cv == 1)
            ib[j, pl.ds(l * 16, 16)] = ((kv & 255) << 1) + \
                jnp.where(single, 1, 0)
            cm = valid & (cv >= 2)
            m0 = cm & (kv < half)
            m1 = cm & (kv >= half)
            cs0 = plsc.cumsum(jnp.where(m0, 1, 0))
            offs0 = jnp.where(m0, co0 + cs0 - 1, jnp.int32(CCAP))
            plsc.store_scatter(ck0, [offs0], kv)
            plsc.store_scatter(cd0, [offs0], ov)
            plsc.store_scatter(cp0, [offs0], pos)
            co0 = co0 + jnp.take(cs0, _B15)
            cs1 = plsc.cumsum(jnp.where(m1, 1, 0))
            offs1 = jnp.where(m1, co1 + cs1 - 1, jnp.int32(CCAP))
            plsc.store_scatter(ck1, [offs1], kv)
            plsc.store_scatter(cd1, [offs1], ov)
            plsc.store_scatter(cp1, [offs1], pos)
            co1 = co1 + jnp.take(cs1, _B15)
        return co0, co1
    zv = jnp.zeros((16,), jnp.int32)
    co0v, co1v = lax.fori_loop(0, 80, _row, (zv, zv))
    co0 = lax.reduce_max(co0v, (0,))
    co1 = lax.reduce_max(co1v, (0,))

    pltpu.sync_copy(ib, idx_hbm.at[pl.ds(w * 80, 80)])
    neg1 = jnp.full((16,), -1, jnp.int32)
    for setid, bufs, co in ((0, (ck0, cd0, cp0), co0), (1, (ck1, cd1, cp1), co1)):
        cop = (co + 127) & ~jnp.int32(127)

        def _fill(i, _, kbuf=bufs[0]):
            kbuf[pl.ds(co + i * 16, 16)] = neg1
            return 0
        lax.fori_loop(0, (cop - co + 15) >> 4, _fill, 0)
        base = pl.multiple_of(
            plsc.fetch_and_add(cnt_smem.at[setid], cop, subcore_id=0), 128)
        dst0 = c * 163840 + base
        nchd = cop >> 7

        def _dump(ch, _):
            for buf, hb in zip(bufs, (ck_hbm, cd_hbm, cp_hbm)):
                pltpu.async_copy(
                    buf.at[pl.ds(ch * 128, 128)],
                    hb.at[pl.ds(setid * 327680 + dst0 + ch * 128, 128)],
                    sem)
            return 0
        lax.fori_loop(0, nchd, _dump, 0)

        def _dumpw(ch, _):
            for buf, hb in zip(bufs, (ck_hbm, cd_hbm, cp_hbm)):
                pltpu.make_async_copy(
                    buf.at[pl.ds(ch * 128, 128)],
                    hb.at[pl.ds(setid * 327680 + dst0 + ch * 128, 128)],
                    sem).wait()
            return 0
        lax.fori_loop(0, nchd, _dumpw, 0)
    plsc.subcore_barrier()

    @pl.when(s == 0)
    def _():
        for setid in (0, 1):
            ccv[...] = jnp.full((16,), 1, jnp.int32) * cnt_smem[setid]
            pltpu.sync_copy(ccv, cc_hbm.at[setid * 2 + c])


@jax.jit
def _sc_k2(key2d, ord2d, counts):
    mesh = plsc.VectorSubcoreMesh(core_axis_name="c", subcore_axis_name="s")
    return pl.kernel(
        _k2_body,
        out_type=(
            jax.ShapeDtypeStruct((KROWS_PAD, 128), jnp.int32),
            jax.ShapeDtypeStruct((655360,), jnp.int32),
            jax.ShapeDtypeStruct((655360,), jnp.int32),
            jax.ShapeDtypeStruct((655360,), jnp.int32),
            jax.ShapeDtypeStruct((4, 16), jnp.int32),
        ),
        mesh=mesh,
        compiler_params=pltpu.CompilerParams(needs_layout_passes=False),
        scratch_types=[
            pltpu.VMEM((80, 128), jnp.int32),
            pltpu.VMEM((80, 128), jnp.int32),
            pltpu.VMEM((80, 128), jnp.int32),
            pltpu.VMEM((80, 128), jnp.int32),
            pltpu.VMEM((80, 128), jnp.int32),
            pltpu.VMEM((CCAP + 16,), jnp.int32),
            pltpu.VMEM((CCAP + 16,), jnp.int32),
            pltpu.VMEM((CCAP + 16,), jnp.int32),
            pltpu.VMEM((CCAP + 16,), jnp.int32),
            pltpu.VMEM((CCAP + 16,), jnp.int32),
            pltpu.VMEM((CCAP + 16,), jnp.int32),
            pltpu.VMEM((16,), jnp.int32),
            pltpu.SMEM((8,), jnp.int32),
            pltpu.SemaphoreType.DMA,
        ],
    )(key2d, ord2d, counts)


RNG = 40000
WCAP = 16384


def _k3_body(ck_hbm, cd_hbm, cp_hbm, cc_hbm,
             wp_hbm, wc_hbm,
             ordtab, postab, kst, dst_, pst, wbuf, ccs, wcv, sem):
    c = lax.axis_index("c")
    s = lax.axis_index("s")
    iota = lax.iota(jnp.int32, 16)
    rngv = jnp.full((16,), RNG, jnp.int32)
    _B15 = jnp.full((16,), 15, jnp.int32)
    pltpu.sync_copy(cc_hbm, ccs)

    for r in (0, 1):
        rbase = c * HALF + (s * 2 + r) * RNG

        def _init(i, _):
            ordtab[pl.ds(i * 16, 16)] = jnp.full((16,), -2**31, jnp.int32)
            postab[pl.ds(i * 16, 16)] = jnp.full((16,), 2**31 - 1, jnp.int32)
            return 0
        lax.fori_loop(0, (RNG + 16) // 16, _init, 0)

        def _stage(slot, ch, refs, bufs):
            for ref, buf in zip(refs, bufs):
                pltpu.async_copy(
                    ref.at[pl.ds(c * 327680 + slot * 163840 + ch * 2048,
                                 2048)], buf, sem)
            for ref, buf in zip(refs, bufs):
                pltpu.make_async_copy(
                    ref.at[pl.ds(c * 327680 + slot * 163840 + ch * 2048,
                                 2048)], buf, sem).wait()

        def _masks(slot, ch, v, cnt):
            kv = kst[pl.ds(v * 16, 16)]
            gi = ch * 2048 + v * 16 + iota
            lk = kv - rbase
            m = (gi < cnt) & (lk >= 0) & (lk < RNG)
            return lk, m, jnp.where(m, lk, rngv)

        def _a1_chunk(ch, cnt, slot):
            _stage(slot, ch, (ck_hbm, cd_hbm), (kst, dst_))
            nv = (jnp.minimum(cnt - ch * 2048, 2048) + 15) >> 4

            def _sweep(_):
                def _vb(v, acc):
                    lk, m, lkc = _masks(slot, ch, v, cnt)
                    ov = dst_[pl.ds(v * 16, 16)]
                    g = plsc.load_gather(ordtab, [lkc])
                    better = m & (ov > g)
                    plsc.store_scatter(
                        ordtab, [jnp.where(better, lkc, rngv)], ov)
                    g2 = plsc.load_gather(ordtab, [lkc])
                    conf = m & (ov > g2)
                    return jnp.maximum(acc, jnp.where(conf, 1, 0))
                accv = lax.fori_loop(0, nv, _vb, jnp.zeros((16,), jnp.int32))
                return lax.reduce_max(accv, (0,))
            lax.while_loop(lambda g: g > 0, _sweep, jnp.int32(1))

        def _a2_chunk(ch, cnt, slot):
            _stage(slot, ch, (ck_hbm, cd_hbm, cp_hbm), (kst, dst_, pst))
            nv = (jnp.minimum(cnt - ch * 2048, 2048) + 15) >> 4

            def _sweep(_):
                def _vb(v, acc):
                    lk, m, lkc = _masks(slot, ch, v, cnt)
                    ov = dst_[pl.ds(v * 16, 16)]
                    pv = pst[pl.ds(v * 16, 16)]
                    g0 = plsc.load_gather(ordtab, [lkc])
                    gp = plsc.load_gather(postab, [lkc])
                    better = m & (ov == g0) & (pv < gp)
                    plsc.store_scatter(
                        postab, [jnp.where(better, lkc, rngv)], pv)
                    gp2 = plsc.load_gather(postab, [lkc])
                    conf = m & (ov == g0) & (pv < gp2)
                    return jnp.maximum(acc, jnp.where(conf, 1, 0))
                accv = lax.fori_loop(0, nv, _vb, jnp.zeros((16,), jnp.int32))
                return lax.reduce_max(accv, (0,))
            lax.while_loop(lambda g: g > 0, _sweep, jnp.int32(1))

        def _b_chunk(ch, cnt, slot, wo):
            _stage(slot, ch, (ck_hbm, cp_hbm), (kst, pst))
            nv = (jnp.minimum(cnt - ch * 2048, 2048) + 15) >> 4

            def _vb(v, wo):
                lk, m, lkc = _masks(slot, ch, v, cnt)
                pv = pst[pl.ds(v * 16, 16)]
                gp = plsc.load_gather(postab, [lkc])
                win = m & (pv == gp)
                cs = plsc.cumsum(jnp.where(win, 1, 0))
                offs = jnp.minimum(jnp.where(win, wo + cs - 1,
                                             jnp.int32(WCAP)), jnp.int32(WCAP))
                plsc.store_scatter(wbuf, [offs], pv)
                return wo + jnp.take(cs, _B15)
            return lax.fori_loop(0, nv, _vb, wo)

        for phase in ("a1", "a2"):
            for slot in (0, 1):
                cnt = lax.reduce_max(ccs[c * 2 + slot, :], (0,))
                nch = (cnt + 2047) >> 11

                def _ch(ch, _, phase=phase, slot=slot, cnt=cnt):
                    if phase == "a1":
                        _a1_chunk(ch, cnt, slot)
                    else:
                        _a2_chunk(ch, cnt, slot)
                    return 0
                lax.fori_loop(0, nch, _ch, 0)

        wo = jnp.zeros((16,), jnp.int32)
        for slot in (0, 1):
            cnt = lax.reduce_max(ccs[c * 2 + slot, :], (0,))
            nch = (cnt + 2047) >> 11

            def _ch(ch, wo, slot=slot, cnt=cnt):
                return _b_chunk(ch, cnt, slot, wo)
            wo = lax.fori_loop(0, nch, _ch, wo)

        q = (c * 16 + s) * 2 + r
        pltpu.sync_copy(wbuf.at[pl.ds(0, WCAP)], wp_hbm.at[q])
        wcv[...] = jnp.full((16,), 1, jnp.int32) * lax.reduce_max(wo, (0,))
        pltpu.sync_copy(wcv, wc_hbm.at[q])


@jax.jit
def _sc_k3(ck, cd, cp, cc):
    mesh = plsc.VectorSubcoreMesh(core_axis_name="c", subcore_axis_name="s")
    return pl.kernel(
        _k3_body,
        out_type=(
            jax.ShapeDtypeStruct((64, WCAP), jnp.int32),
            jax.ShapeDtypeStruct((64, 16), jnp.int32),
        ),
        mesh=mesh,
        compiler_params=pltpu.CompilerParams(needs_layout_passes=False),
        scratch_types=[
            pltpu.VMEM((RNG + 16,), jnp.int32),
            pltpu.VMEM((RNG + 16,), jnp.int32),
            pltpu.VMEM((2048,), jnp.int32),
            pltpu.VMEM((2048,), jnp.int32),
            pltpu.VMEM((2048,), jnp.int32),
            pltpu.VMEM((WCAP + 16,), jnp.int32),
            pltpu.VMEM((4, 16), jnp.int32),
            pltpu.VMEM((16,), jnp.int32),
            pltpu.SemaphoreType.DMA,
        ],
    )(ck, cd, cp, cc)


def _k3b_body(idx_hbm, wp_hbm, wc_hbm, out_hbm, ib, wst, wstall, wcs, sem):
    c = lax.axis_index("c")
    s = lax.axis_index("s")
    w = c * 16 + s
    iota = lax.iota(jnp.int32, 16)
    dumprow = jnp.full((16,), 80, jnp.int32)

    pltpu.sync_copy(idx_hbm.at[pl.ds(w * 80, 80)], ib.at[pl.ds(0, 80)])
    pltpu.sync_copy(wc_hbm, wcs)

    def _pf(q, _):
        pltpu.async_copy(wp_hbm.at[q, pl.ds(0, 1024)], wstall.at[q], sem)
        return 0
    lax.fori_loop(0, 64, _pf, 0)

    def _pfw(q, _):
        pltpu.make_async_copy(wp_hbm.at[q, pl.ds(0, 1024)], wstall.at[q],
                              sem).wait()
        return 0
    lax.fori_loop(0, 64, _pfw, 0)

    def _patch(q, ch, cnt, buf2d, row1d):
        nv = (jnp.minimum(cnt - ch * 1024, 1024) + 15) >> 4

        def _vb(v, _):
            if buf2d is not None:
                pv = buf2d[q, pl.ds(v * 16, 16)]
            else:
                pv = row1d[pl.ds(v * 16, 16)]
            gi = ch * 1024 + v * 16 + iota
            lp = pv - w * 10240
            m = (gi < cnt) & (lp >= 0) & (lp < 10240)
            row = jnp.where(m, lp >> 7, dumprow)
            col = lp & 127
            g = plsc.load_gather(ib, [row, col])
            plsc.store_scatter(ib, [row, col], g + 1)
            return 0
        lax.fori_loop(0, nv, _vb, 0)

    def _run(q, _):
        cnt = lax.reduce_max(wcs[q, :], (0,))
        _patch(q, jnp.int32(0), cnt, wstall, None)
        nch = (cnt + 1023) >> 10

        def _ch(ch, _):
            pltpu.sync_copy(wp_hbm.at[q, pl.ds(ch * 1024, 1024)], wst)
            _patch(q, ch, cnt, None, wst)
            return 0
        lax.fori_loop(1, nch, _ch, 0)
        return 0
    lax.fori_loop(0, 64, _run, 0)

    pltpu.sync_copy(ib.at[pl.ds(0, 80)], out_hbm.at[pl.ds(w * 80, 80)])


@jax.jit
def _sc_k3b(idx_pad, wp, wc):
    mesh = plsc.VectorSubcoreMesh(core_axis_name="c", subcore_axis_name="s")
    return pl.kernel(
        _k3b_body,
        out_type=jax.ShapeDtypeStruct((KROWS_PAD, 128), jnp.int32),
        mesh=mesh,
        compiler_params=pltpu.CompilerParams(needs_layout_passes=False),
        scratch_types=[
            pltpu.VMEM((81, 128), jnp.int32),
            pltpu.VMEM((1024,), jnp.int32),
            pltpu.VMEM((64, 1024), jnp.int32),
            pltpu.VMEM((64, 16), jnp.int32),
            pltpu.SemaphoreType.DMA,
        ],
    )(idx_pad, wp, wc)


def _gather_block(idx_ref, ehi_ref, elo_ref, out_ref):
    idxv = idx_ref[0, 0, :]
    onehot = (idxv.astype(jnp.int16)[:, None] ==
              lax.broadcasted_iota(jnp.int16, (_GB, EMB_ROWS), 1)
              ).astype(jnp.bfloat16)
    dn = (((1,), (0,)), ((), ()))
    hi = lax.dot_general(onehot, ehi_ref[...], dimension_numbers=dn,
                         preferred_element_type=jnp.float32)
    lo = lax.dot_general(onehot, elo_ref[...], dimension_numbers=dn,
                         preferred_element_type=jnp.float32)
    out_ref[0] = hi + lo


def _emb_gather(idx, emb):
    idx3 = idx.reshape(_GRID, 1, _GB)
    ehi = emb.astype(jnp.bfloat16)
    elo = (emb - ehi.astype(jnp.float32)).astype(jnp.bfloat16)
    out = pl.pallas_call(
        _gather_block,
        grid=(_GRID,),
        in_specs=[
            pl.BlockSpec((1, 1, _GB), lambda i: (i, 0, 0)),
            pl.BlockSpec((EMB_ROWS, H), lambda i: (0, 0)),
            pl.BlockSpec((EMB_ROWS, H), lambda i: (0, 0)),
        ],
        out_specs=pl.BlockSpec((1, _GB, H), lambda i: (i, 0, 0)),
        out_shape=jax.ShapeDtypeStruct((_GRID, _GB, H), jnp.float32),
    )(idx3, ehi, elo)
    return out.reshape(N, H)


def kernel(binary_states, scalars, index, emb):
    n = binary_states.shape[0]
    powers = (2.0 ** jnp.arange(S)).astype(jnp.float32)
    states_i = (2.0 * jnp.dot(binary_states, powers)).astype(jnp.int32)
    sh = states_i >> 1
    key = index.astype(jnp.int32) * jnp.int32(256) + sh

    logits = -scalars.squeeze() + 0.0
    b = lax.bitcast_convert_type(logits, jnp.int32)
    sign = jnp.int32(-2147483648)
    ordv = jnp.where(b < 0, jnp.bitwise_xor(~b, sign), b)

    key2d = jnp.concatenate(
        [key.reshape(KROWS, 128),
         jnp.full((KROWS_PAD - KROWS, 128), -1, jnp.int32)], axis=0)
    counts = _sc_counts(key2d)

    ord2d = jnp.concatenate(
        [ordv.reshape(KROWS, 128),
         jnp.zeros((KROWS_PAD - KROWS, 128), jnp.int32)], axis=0)
    idx_pad, ck, cd, cp, cc = _sc_k2(key2d, ord2d, counts)
    wp, wc = _sc_k3(ck, cd, cp, cc)
    idx_final = _sc_k3b(idx_pad, wp, wc)
    idx = idx_final.reshape(-1)[:N]
    return _emb_gather(idx, emb)

# --- scband reference (transcript-rebuilt; emitter-appended) ---
"""Pipeline reference for scband-select-best-1924145349104 (READ-ONLY COPY).

The authoritative reference and input builder live on the scoring server;
editing this copy changes nothing except your own understanding.
"""

import jax, jax.numpy as jnp
import numpy as np

N = 320000
S = 8
H = 128
NUM_NODES = 10000
EMB_ROWS = 2 ** (S + 1)


def setup_inputs(seed: int = 0) -> dict:
    key = jax.random.key(seed)
    k1, k2, k3, k4 = jax.random.split(key, 4)
    binary_states = jax.random.randint(k1, (N, S), 0, 2).astype(jnp.float32)
    scalars = jax.random.normal(k2, (N, 1), dtype=jnp.float32)
    index = jax.random.randint(k3, (N,), 0, NUM_NODES)
    emb = jax.random.normal(k4, (EMB_ROWS, H), dtype=jnp.float32) * 0.02
    return {"binary_states": binary_states, "scalars": scalars, "index": index, "emb": emb}


def _from_binary_states(b):
    powers = (2 ** jnp.arange(b.shape[1])).astype(b.dtype)
    return jnp.sum(b * powers, axis=1)


def reference(binary_states, scalars, index, emb):
    n = binary_states.shape[0]
    s = binary_states.shape[1]
    # states = 2 * from_binary_states(binary_states)
    states = 2.0 * _from_binary_states(binary_states)
    states_i = states.astype(jnp.int32)
    # torch.unique(cat([states, index], dim=1), return_inverse=True, dim=0):
    # equivalent grouping via a combined scalar key (index < NUM_NODES)
    key = states_i * jnp.int32(NUM_NODES) + index.astype(jnp.int32)
    num_segments = (2 * (2 ** s - 1) + 1) * NUM_NODES
    # gumbel_softmax(-scalars.squeeze(), group_index, tau=0.0, use_noise=False)
    # == hard one-hot at the per-group argmax of (-scalars), no noise, no temperature
    logits = -scalars.squeeze()
    gmax = jax.ops.segment_max(logits, key, num_segments=num_segments)
    is_max = logits == gmax[key]
    arange_n = jnp.arange(n)
    cand = jnp.where(is_max, arange_n, n)
    first = jax.ops.segment_min(cand, key, num_segments=num_segments)
    best_in_group = (arange_n == first[key]).astype(states.dtype)
    state_with_best = states + best_in_group
    idx = state_with_best.astype(jnp.int32)
    return jnp.take(emb, idx, axis=0)

if __name__ == "__main__":
    import jax
    _d = setup_inputs()
    print(jax.jit(kernel)(*tuple(_d.values())))

</pallas_src>

<mosaic_0001>
#map = affine_map<(d0, d1) -> (0, 0)>
#map1 = affine_map<(d0, d1) -> (0)>
module attributes {stable_mosaic.version = 14 : i64} {
  func.func @_counts_body(%arg0: i32, %arg1: i32, %arg2: memref<2560x128xi32, #tpu.memory_space<hbm>>, %arg3: memref<2560000xi32, #tpu.memory_space<hbm>>, %arg4: memref<1280128xi32, #tpu.memory_space<vmem_shared>>, %arg5: memref<160x128xi32, #tpu.memory_space<vmem>>, %arg6: memref<160x128xi32, #tpu.memory_space<vmem>>, %arg7: memref<128xi32, #tpu.memory_space<vmem>>, %arg8: memref<8192xi32, #tpu.memory_space<vmem>>, %arg9: memref<!tpu.dma_semaphore, #tpu.memory_space<semaphore_mem>>) attributes {dimension_semantics = [#tpu.dimension_semantics<core_parallel>, #tpu.dimension_semantics<subcore_parallel>], iteration_bounds = array<i64: 2, 16>, scalar_prefetch = 0 : i64, scratch_operands = 6 : i64, tpu.core_type = #tpu.core_type<sc_vector_subcore>, window_params = [{transform_indices = #map}, {transform_indices = #map1}]} {
    %broadcast_in_dim3A = arith.constant 1280000 : i32
    %broadcast_in_dim3A_0 = vector.broadcast %broadcast_in_dim3A : i32 to vector<16xi32>
    %scan3A = arith.constant 0 : i32
    %scan3A_1 = arith.constant 0 : i32
    %scan3A_2 = arith.constant 512 : i32
    %scan3A_3 = arith.addi %scan3A_1, %scan3A_2 : i32
    %scan3A_4 = arith.constant 1 : i32
    %scan3A_5 = scf.for %scan3A_244 = %scan3A_1 to %scan3A_3 step %scan3A_4 iter_args(%scan3A_245 = %scan3A) -> (i32)  : i32 {
      %broadcast_in_dim3A_246 = arith.constant 0 : i32
      %broadcast_in_dim3A_247 = vector.broadcast %broadcast_in_dim3A_246 : i32 to vector<16xi32>
      %mul3A_248 = arith.constant 16 : i32
      %mul3A_249 = arith.muli %scan3A_244, %mul3A_248 : i32
      %swap3A_250 = arith.index_cast %mul3A_249 : i32 to index
      %swap3A_251 = tpu.vector_load %arg8[%swap3A_250] {strides = array<i32>} : memref<8192xi32, #tpu.memory_space<vmem>>, vector<16xi32>,
      %swap3A_252 = vector.shape_cast %swap3A_251 : vector<16xi32> to vector<16xi32>
      %swap3A_253 = vector.shape_cast %broadcast_in_dim3A_247 : vector<16xi32> to vector<16xi32>
      tpu.vector_store %arg8[%swap3A_250], %swap3A_253 {strides = array<i32>} : memref<8192xi32, #tpu.memory_space<vmem>>, vector<16xi32>,
      %scan3A_254 = arith.constant 0 : i32
      scf.yield %scan3A_254 : i32
    }
    %scan3A_6 = arith.constant 512 : i32
    %mul3A = arith.constant 80008 : i32
    %mul3A_7 = arith.muli %arg1, %mul3A : i32
    %add3A = arith.constant 0 : i32
    %add3A_8 = arith.addi %mul3A_7, %add3A : i32
    %dma_start3A = arith.constant 0 : i32
    %dma_start3A_9 = tpu.memref_slice %arg8[%dma_start3A] : memref<8192xi32, #tpu.memory_space<vmem>> -> memref<8192xi32, #tpu.memory_space<vmem>>
    %dma_start3A_10 = tpu.memref_slice %arg4[%add3A_8] : memref<1280128xi32, #tpu.memory_space<vmem_shared>> -> memref<8192xi32, #tpu.memory_space<vmem_shared>>
    %dma_start3A_11 = tpu.memref_slice %arg4[%add3A_8] : memref<1280128xi32, #tpu.memory_space<vmem_shared>> -> memref<8192xi32, #tpu.memory_space<vmem_shared>>
    %dma_start3A_12 = arith.constant 0 : i32
    %dma_start3A_13 = tpu.memref_slice %arg8[%dma_start3A_12] : memref<8192xi32, #tpu.memory_space<vmem>> -> memref<8192xi32, #tpu.memory_space<vmem>>
    tpu.enqueue_dma source(%dma_start3A_13 : memref<8192xi32, #tpu.memory_space<vmem>>) target(%dma_start3A_11 : memref<8192xi32, #tpu.memory_space<vmem_shared>>) target_semaphore(%arg9 : memref<!tpu.dma_semaphore, #tpu.memory_space<semaphore_mem>>)
    %add3A_14 = arith.constant 8192 : i32
    %add3A_15 = arith.addi %mul3A_7, %add3A_14 : i32
    %dma_start3A_16 = arith.constant 0 : i32
    %dma_start3A_17 = tpu.memref_slice %arg8[%dma_start3A_16] : memref<8192xi32, #tpu.memory_space<vmem>> -> memref<8192xi32, #tpu.memory_space<vmem>>
    %dma_start3A_18 = tpu.memref_slice %arg4[%add3A_15] : memref<1280128xi32, #tpu.memory_space<vmem_shared>> -> memref<8192xi32, #tpu.memory_space<vmem_shared>>
    %dma_start3A_19 = tpu.memref_slice %arg4[%add3A_15] : memref<1280128xi32, #tpu.memory_space<vmem_shared>> -> memref<8192xi32, #tpu.memory_space<vmem_shared>>
    %dma_start3A_20 = arith.constant 0 : i32
    %dma_start3A_21 = tpu.memref_slice %arg8[%dma_start3A_20] : memref<8192xi32, #tpu.memory_space<vmem>> -> memref<8192xi32, #tpu.memory_space<vmem>>
    tpu.enqueue_dma source(%dma_start3A_21 : memref<8192xi32, #tpu.memory_space<vmem>>) target(%dma_start3A_19 : memref<8192xi32, #tpu.memory_space<vmem_shared>>) target_semaphore(%arg9 : memref<!tpu.dma_semaphore, #tpu.memory_space<semaphore_mem>>)
    %add3A_22 = arith.constant 16384 : i32
    %add3A_23 = arith.addi %mul3A_7, %add3A_22 : i32
    %dma_start3A_24 = arith.constant 0 : i32
    %dma_start3A_25 = tpu.memref_slice %arg8[%dma_start3A_24] : memref<8192xi32, #tpu.memory_space<vmem>> -> memref<8192xi32, #tpu.memory_space<vmem>>
    %dma_start3A_26 = tpu.memref_slice %arg4[%add3A_23] : memref<1280128xi32, #tpu.memory_space<vmem_shared>> -> memref<8192xi32, #tpu.memory_space<vmem_shared>>
    %dma_start3A_27 = tpu.memref_slice %arg4[%add3A_23] : memref<1280128xi32, #tpu.memory_space<vmem_shared>> -> memref<8192xi32, #tpu.memory_space<vmem_shared>>
    %dma_start3A_28 = arith.constant 0 : i32
    %dma_start3A_29 = tpu.memref_slice %arg8[%dma_start3A_28] : memref<8192xi32, #tpu.memory_space<vmem>> -> memref<8192xi32, #tpu.memory_space<vmem>>
    tpu.enqueue_dma source(%dma_start3A_29 : memref<8192xi32, #tpu.memory_space<vmem>>) target(%dma_start3A_27 : memref<8192xi32, #tpu.memory_space<vmem_shared>>) target_semaphore(%arg9 : memref<!tpu.dma_semaphore, #tpu.memory_space<semaphore_mem>>)
    %add3A_30 = arith.constant 24576 : i32
    %add3A_31 = arith.addi %mul3A_7, %add3A_30 : i32
    %dma_start3A_32 = arith.constant 0 : i32
    %dma_start3A_33 = tpu.memref_slice %arg8[%dma_start3A_32] : memref<8192xi32, #tpu.memory_space<vmem>> -> memref<8192xi32, #tpu.memory_space<vmem>>
    %dma_start3A_34 = tpu.memref_slice %arg4[%add3A_31] : memref<1280128xi32, #tpu.memory_space<vmem_shared>> -> memref<8192xi32, #tpu.memory_space<vmem_shared>>
    %dma_start3A_35 = tpu.memref_slice %arg4[%add3A_31] : memref<1280128xi32, #tpu.memory_space<vmem_shared>> -> memref<8192xi32, #tpu.memory_space<vmem_shared>>
    %dma_start3A_36 = arith.constant 0 : i32
    %dma_start3A_37 = tpu.memref_slice %arg8[%dma_start3A_36] : memref<8192xi32, #tpu.memory_space<vmem>> -> memref<8192xi32, #tpu.memory_space<vmem>>
    tpu.enqueue_dma source(%dma_start3A_37 : memref<8192xi32, #tpu.memory_space<vmem>>) target(%dma_start3A_35 : memref<8192xi32, #tpu.memory_space<vmem_shared>>) target_semaphore(%arg9 : memref<!tpu.dma_semaphore, #tpu.memory_space<semaphore_mem>>)
    %add3A_38 = arith.constant 32768 : i32
    %add3A_39 = arith.addi %mul3A_7, %add3A_38 : i32
    %dma_start3A_40 = arith.constant 0 : i32
    %dma_start3A_41 = tpu.memref_slice %arg8[%dma_start3A_40] : memref<8192xi32, #tpu.memory_space<vmem>> -> memref<8192xi32, #tpu.memory_space<vmem>>
    %dma_start3A_42 = tpu.memref_slice %arg4[%add3A_39] : memref<1280128xi32, #tpu.memory_space<vmem_shared>> -> memref<8192xi32, #tpu.memory_space<vmem_shared>>
    %dma_start3A_43 = tpu.memref_slice %arg4[%add3A_39] : memref<1280128xi32, #tpu.memory_space<vmem_shared>> -> memref<8192xi32, #tpu.memory_space<vmem_shared>>
    %dma_start3A_44 = arith.constant 0 : i32
    %dma_start3A_45 = tpu.memref_slice %arg8[%dma_start3A_44] : memref<8192xi32, #tpu.memory_space<vmem>> -> memref<8192xi32, #tpu.memory_space<vmem>>
    tpu.enqueue_dma source(%dma_start3A_45 : memref<8192xi32, #tpu.memory_space<vmem>>) target(%dma_start3A_43 : memref<8192xi32, #tpu.memory_space<vmem_shared>>) target_semaphore(%arg9 : memref<!tpu.dma_semaphore, #tpu.memory_space<semaphore_mem>>)
    %add3A_46 = arith.constant 40960 : i32
    %add3A_47 = arith.addi %mul3A_7, %add3A_46 : i32
    %dma_start3A_48 = arith.constant 0 : i32
    %dma_start3A_49 = tpu.memref_slice %arg8[%dma_start3A_48] : memref<8192xi32, #tpu.memory_space<vmem>> -> memref<8192xi32, #tpu.memory_space<vmem>>
    %dma_start3A_50 = tpu.memref_slice %arg4[%add3A_47] : memref<1280128xi32, #tpu.memory_space<vmem_shared>> -> memref<8192xi32, #tpu.memory_space<vmem_shared>>
    %dma_start3A_51 = tpu.memref_slice %arg4[%add3A_47] : memref<1280128xi32, #tpu.memory_space<vmem_shared>> -> memref<8192xi32, #tpu.memory_space<vmem_shared>>
    %dma_start3A_52 = arith.constant 0 : i32
    %dma_start3A_53 = tpu.memref_slice %arg8[%dma_start3A_52] : memref<8192xi32, #tpu.memory_space<vmem>> -> memref<8192xi32, #tpu.memory_space<vmem>>
    tpu.enqueue_dma source(%dma_start3A_53 : memref<8192xi32, #tpu.memory_space<vmem>>) target(%dma_start3A_51 : memref<8192xi32, #tpu.memory_space<vmem_shared>>) target_semaphore(%arg9 : memref<!tpu.dma_semaphore, #tpu.memory_space<semaphore_mem>>)
    %add3A_54 = arith.constant 49152 : i32
    %add3A_55 = arith.addi %mul3A_7, %add3A_54 : i32
    %dma_start3A_56 = arith.constant 0 : i32
    %dma_start3A_57 = tpu.memref_slice %arg8[%dma_start3A_56] : memref<8192xi32, #tpu.memory_space<vmem>> -> memref<8192xi32, #tpu.memory_space<vmem>>
    %dma_start3A_58 = tpu.memref_slice %arg4[%add3A_55] : memref<1280128xi32, #tpu.memory_space<vmem_shared>> -> memref<8192xi32, #tpu.memory_space<vmem_shared>>
    %dma_start3A_59 = tpu.memref_slice %arg4[%add3A_55] : memref<1280128xi32, #tpu.memory_space<vmem_shared>> -> memref<8192xi32, #tpu.memory_space<vmem_shared>>
    %dma_start3A_60 = arith.constant 0 : i32
    %dma_start3A_61 = tpu.memref_slice %arg8[%dma_start3A_60] : memref<8192xi32, #tpu.memory_space<vmem>> -> memref<8192xi32, #tpu.memory_space<vmem>>
    tpu.enqueue_dma source(%dma_start3A_61 : memref<8192xi32, #tpu.memory_space<vmem>>) target(%dma_start3A_59 : memref<8192xi32, #tpu.memory_space<vmem_shared>>) target_semaphore(%arg9 : memref<!tpu.dma_semaphore, #tpu.memory_space<semaphore_mem>>)
    %add3A_62 = arith.constant 57344 : i32
    %add3A_63 = arith.addi %mul3A_7, %add3A_62 : i32
    %dma_start3A_64 = arith.constant 0 : i32
    %dma_start3A_65 = tpu.memref_slice %arg8[%dma_start3A_64] : memref<8192xi32, #tpu.memory_space<vmem>> -> memref<8192xi32, #tpu.memory_space<vmem>>
    %dma_start3A_66 = tpu.memref_slice %arg4[%add3A_63] : memref<1280128xi32, #tpu.memory_space<vmem_shared>> -> memref<8192xi32, #tpu.memory_space<vmem_shared>>
    %dma_start3A_67 = tpu.memref_slice %arg4[%add3A_63] : memref<1280128xi32, #tpu.memory_space<vmem_shared>> -> memref<8192xi32, #tpu.memory_space<vmem_shared>>
    %dma_start3A_68 = arith.constant 0 : i32
    %dma_start3A_69 = tpu.memref_slice %arg8[%dma_start3A_68] : memref<8192xi32, #tpu.memory_space<vmem>> -> memref<8192xi32, #tpu.memory_space<vmem>>
    tpu.enqueue_dma source(%dma_start3A_69 : memref<8192xi32, #tpu.memory_space<vmem>>) target(%dma_start3A_67 : memref<8192xi32, #tpu.memory_space<vmem_shared>>) target_semaphore(%arg9 : memref<!tpu.dma_semaphore, #tpu.memory_space<semaphore_mem>>)
    %add3A_70 = arith.constant 65536 : i32
    %add3A_71 = arith.addi %mul3A_7, %add3A_70 : i32
    %dma_start3A_72 = arith.constant 0 : i32
    %dma_start3A_73 = tpu.memref_slice %arg8[%dma_start3A_72] : memref<8192xi32, #tpu.memory_space<vmem>> -> memref<8192xi32, #tpu.memory_space<vmem>>
    %dma_start3A_74 = tpu.memref_slice %arg4[%add3A_71] : memref<1280128xi32, #tpu.memory_space<vmem_shared>> -> memref<8192xi32, #tpu.memory_space<vmem_shared>>
    %dma_start3A_75 = tpu.memref_slice %arg4[%add3A_71] : memref<1280128xi32, #tpu.memory_space<vmem_shared>> -> memref<8192xi32, #tpu.memory_space<vmem_shared>>
    %dma_start3A_76 = arith.constant 0 : i32
    %dma_start3A_77 = tpu.memref_slice %arg8[%dma_start3A_76] : memref<8192xi32, #tpu.memory_space<vmem>> -> memref<8192xi32, #tpu.memory_space<vmem>>
    tpu.enqueue_dma source(%dma_start3A_77 : memref<8192xi32, #tpu.memory_space<vmem>>) target(%dma_start3A_75 : memref<8192xi32, #tpu.memory_space<vmem_shared>>) target_semaphore(%arg9 : memref<!tpu.dma_semaphore, #tpu.memory_space<semaphore_mem>>)
    %add3A_78 = arith.constant 73728 : i32
    %add3A_79 = arith.addi %mul3A_7, %add3A_78 : i32
    %dma_start3A_80 = arith.constant 0 : i32
    %dma_start3A_81 = tpu.memref_slice %arg8[%dma_start3A_80] : memref<8192xi32, #tpu.memory_space<vmem>> -> memref<6280xi32, #tpu.memory_space<vmem>>
    %dma_start3A_82 = tpu.memref_slice %arg4[%add3A_79] : memref<1280128xi32, #tpu.memory_space<vmem_shared>> -> memref<6280xi32, #tpu.memory_space<vmem_shared>>
    %dma_start3A_83 = tpu.memref_slice %arg4[%add3A_79] : memref<1280128xi32, #tpu.memory_space<vmem_shared>> -> memref<6280xi32, #tpu.memory_space<vmem_shared>>
    %dma_start3A_84 = arith.constant 0 : i32
    %dma_start3A_85 = tpu.memref_slice %arg8[%dma_start3A_84] : memref<8192xi32, #tpu.memory_space<vmem>> -> memref<6280xi32, #tpu.memory_space<vmem>>
    tpu.enqueue_dma source(%dma_start3A_85 : memref<6280xi32, #tpu.memory_space<vmem>>) target(%dma_start3A_83 : memref<6280xi32, #tpu.memory_space<vmem_shared>>) target_semaphore(%arg9 : memref<!tpu.dma_semaphore, #tpu.memory_space<semaphore_mem>>)
    %add3A_86 = arith.constant 0 : i32
    %add3A_87 = arith.addi %mul3A_7, %add3A_86 : i32
    %dma_wait3A = arith.constant 0 : i32
    %dma_wait3A_88 = tpu.memref_slice %arg8[%dma_wait3A] : memref<8192xi32, #tpu.memory_space<vmem>> -> memref<8192xi32, #tpu.memory_space<vmem>>
    %dma_wait3A_89 = tpu.memref_slice %arg4[%add3A_87] : memref<1280128xi32, #tpu.memory_space<vmem_shared>> -> memref<8192xi32, #tpu.memory_space<vmem_shared>>
    %dma_wait3A_90 = tpu.memref_slice %arg4[%add3A_87] : memref<1280128xi32, #tpu.memory_space<vmem_shared>> -> memref<8192xi32, #tpu.memory_space<vmem_shared>>
    %dma_wait3A_91 = arith.constant 0 : i32
    %dma_wait3A_92 = tpu.memref_slice %arg8[%dma_wait3A_91] : memref<8192xi32, #tpu.memory_space<vmem>> -> memref<8192xi32, #tpu.memory_space<vmem>>
    tpu.wait_dma2 semaphore(%arg9 : memref<!tpu.dma_semaphore, #tpu.memory_space<semaphore_mem>>) src(%dma_wait3A_92 : memref<8192xi32, #tpu.memory_space<vmem>>) dst(%dma_wait3A_90 : memref<8192xi32, #tpu.memory_space<vmem_shared>>)
    %add3A_93 = arith.constant 8192 : i32
    %add3A_94 = arith.addi %mul3A_7, %add3A_93 : i32
    %dma_wait3A_95 = arith.constant 0 : i32
    %dma_wait3A_96 = tpu.memref_slice %arg8[%dma_wait3A_95] : memref<8192xi32, #tpu.memory_space<vmem>> -> memref<8192xi32, #tpu.memory_space<vmem>>
    %dma_wait3A_97 = tpu.memref_slice %arg4[%add3A_94] : memref<1280128xi32, #tpu.memory_space<vmem_shared>> -> memref<8192xi32, #tpu.memory_space<vmem_shared>>
    %dma_wait3A_98 = tpu.memref_slice %arg4[%add3A_94] : memref<1280128xi32, #tpu.memory_space<vmem_shared>> -> memref<8192xi32, #tpu.memory_space<vmem_shared>>
    %dma_wait3A_99 = arith.constant 0 : i32
    %dma_wait3A_100 = tpu.memref_slice %arg8[%dma_wait3A_99] : memref<8192xi32, #tpu.memory_space<vmem>> -> memref<8192xi32, #tpu.memory_space<vmem>>
    tpu.wait_dma2 semaphore(%arg9 : memref<!tpu.dma_semaphore, #tpu.memory_space<semaphore_mem>>) src(%dma_wait3A_100 : memref<8192xi32, #tpu.memory_space<vmem>>) dst(%dma_wait3A_98 : memref<8192xi32, #tpu.memory_space<vmem_shared>>)
    %add3A_101 = arith.constant 16384 : i32
    %add3A_102 = arith.addi %mul3A_7, %add3A_101 : i32
    %dma_wait3A_103 = arith.constant 0 : i32
    %dma_wait3A_104 = tpu.memref_slice %arg8[%dma_wait3A_103] : memref<8192xi32, #tpu.memory_space<vmem>> -> memref<8192xi32, #tpu.memory_space<vmem>>
    %dma_wait3A_105 = tpu.memref_slice %arg4[%add3A_102] : memref<1280128xi32, #tpu.memory_space<vmem_shared>> -> memref<8192xi32, #tpu.memory_space<vmem_shared>>
    %dma_wait3A_106 = tpu.memref_slice %arg4[%add3A_102] : memref<1280128xi32, #tpu.memory_space<vmem_shared>> -> memref<8192xi32, #tpu.memory_space<vmem_shared>>
    %dma_wait3A_107 = arith.constant 0 : i32
    %dma_wait3A_108 = tpu.memref_slice %arg8[%dma_wait3A_107] : memref<8192xi32, #tpu.memory_space<vmem>> -> memref<8192xi32, #tpu.memory_space<vmem>>
    tpu.wait_dma2 semaphore(%arg9 : memref<!tpu.dma_semaphore, #tpu.memory_space<semaphore_mem>>) src(%dma_wait3A_108 : memref<8192xi32, #tpu.memory_space<vmem>>) dst(%dma_wait3A_106 : memref<8192xi32, #tpu.memory_space<vmem_shared>>)
    %add3A_109 = arith.constant 24576 : i32
    %add3A_110 = arith.addi %mul3A_7, %add3A_109 : i32
    %dma_wait3A_111 = arith.constant 0 : i32
    %dma_wait3A_112 = tpu.memref_slice %arg8[%dma_wait3A_111] : memref<8192xi32, #tpu.memory_space<vmem>> -> memref<8192xi32, #tpu.memory_space<vmem>>
    %dma_wait3A_113 = tpu.memref_slice %arg4[%add3A_110] : memref<1280128xi32, #tpu.memory_space<vmem_shared>> -> memref<8192xi32, #tpu.memory_space<vmem_shared>>
    %dma_wait3A_114 = tpu.memref_slice %arg4[%add3A_110] : memref<1280128xi32, #tpu.memory_space<vmem_shared>> -> memref<8192xi32, #tpu.memory_space<vmem_shared>>
    %dma_wait3A_115 = arith.constant 0 : i32
    %dma_wait3A_116 = tpu.memref_slice %arg8[%dma_wait3A_115] : memref<8192xi32, #tpu.memory_space<vmem>> -> memref<8192xi32, #tpu.memory_space<vmem>>
    tpu.wait_dma2 semaphore(%arg9 : memref<!tpu.dma_semaphore, #tpu.memory_space<semaphore_mem>>) src(%dma_wait3A_116 : memref<8192xi32, #tpu.memory_space<vmem>>) dst(%dma_wait3A_114 : memref<8192xi32, #tpu.memory_space<vmem_shared>>)
    %add3A_117 = arith.constant 32768 : i32
    %add3A_118 = arith.addi %mul3A_7, %add3A_117 : i32
    %dma_wait3A_119 = arith.constant 0 : i32
    %dma_wait3A_120 = tpu.memref_slice %arg8[%dma_wait3A_119] : memref<8192xi32, #tpu.memory_space<vmem>> -> memref<8192xi32, #tpu.memory_space<vmem>>
    %dma_wait3A_121 = tpu.memref_slice %arg4[%add3A_118] : memref<1280128xi32, #tpu.memory_space<vmem_shared>> -> memref<8192xi32, #tpu.memory_space<vmem_shared>>
    %dma_wait3A_122 = tpu.memref_slice %arg4[%add3A_118] : memref<1280128xi32, #tpu.memory_space<vmem_shared>> -> memref<8192xi32, #tpu.memory_space<vmem_shared>>
    %dma_wait3A_123 = arith.constant 0 : i32
    %dma_wait3A_124 = tpu.memref_slice %arg8[%dma_wait3A_123] : memref<8192xi32, #tpu.memory_space<vmem>> -> memref<8192xi32, #tpu.memory_space<vmem>>
    tpu.wait_dma2 semaphore(%arg9 : memref<!tpu.dma_semaphore, #tpu.memory_space<semaphore_mem>>) src(%dma_wait3A_124 : memref<8192xi32, #tpu.memory_space<vmem>>) dst(%dma_wait3A_122 : memref<8192xi32, #tpu.memory_space<vmem_shared>>)
    %add3A_125 = arith.constant 40960 : i32
    %add3A_126 = arith.addi %mul3A_7, %add3A_125 : i32
    %dma_wait3A_127 = arith.constant 0 : i32
    %dma_wait3A_128 = tpu.memref_slice %arg8[%dma_wait3A_127] : memref<8192xi32, #tpu.memory_space<vmem>> -> memref<8192xi32, #tpu.memory_space<vmem>>
    %dma_wait3A_129 = tpu.memref_slice %arg4[%add3A_126] : memref<1280128xi32, #tpu.memory_space<vmem_shared>> -> memref<8192xi32, #tpu.memory_space<vmem_shared>>
    %dma_wait3A_130 = tpu.memref_slice %arg4[%add3A_126] : memref<1280128xi32, #tpu.memory_space<vmem_shared>> -> memref<8192xi32, #tpu.memory_space<vmem_shared>>
    %dma_wait3A_131 = arith.constant 0 : i32
    %dma_wait3A_132 = tpu.memref_slice %arg8[%dma_wait3A_131] : memref<8192xi32, #tpu.memory_space<vmem>> -> memref<8192xi32, #tpu.memory_space<vmem>>
    tpu.wait_dma2 semaphore(%arg9 : memref<!tpu.dma_semaphore, #tpu.memory_space<semaphore_mem>>) src(%dma_wait3A_132 : memref<8192xi32, #tpu.memory_space<vmem>>) dst(%dma_wait3A_130 : memref<8192xi32, #tpu.memory_space<vmem_shared>>)
    %add3A_133 = arith.constant 49152 : i32
    %add3A_134 = arith.addi %mul3A_7, %add3A_133 : i32
    %dma_wait3A_135 = arith.constant 0 : i32
    %dma_wait3A_136 = tpu.memref_slice %arg8[%dma_wait3A_135] : memref<8192xi32, #tpu.memory_space<vmem>> -> memref<8192xi32, #tpu.memory_space<vmem>>
    %dma_wait3A_137 = tpu.memref_slice %arg4[%add3A_134] : memref<1280128xi32, #tpu.memory_space<vmem_shared>> -> memref<8192xi32, #tpu.memory_space<vmem_shared>>
    %dma_wait3A_138 = tpu.memref_slice %arg4[%add3A_134] : memref<1280128xi32, #tpu.memory_space<vmem_shared>> -> memref<8192xi32, #tpu.memory_space<vmem_shared>>
    %dma_wait3A_139 = arith.constant 0 : i32
    %dma_wait3A_140 = tpu.memref_slice %arg8[%dma_wait3A_139] : memref<8192xi32, #tpu.memory_space<vmem>> -> memref<8192xi32, #tpu.memory_space<vmem>>
    tpu.wait_dma2 semaphore(%arg9 : memref<!tpu.dma_semaphore, #tpu.memory_space<semaphore_mem>>) src(%dma_wait3A_140 : memref<8192xi32, #tpu.memory_space<vmem>>) dst(%dma_wait3A_138 : memref<8192xi32, #tpu.memory_space<vmem_shared>>)
    %add3A_141 = arith.constant 57344 : i32
    %add3A_142 = arith.addi %mul3A_7, %add3A_141 : i32
    %dma_wait3A_143 = arith.constant 0 : i32
    %dma_wait3A_144 = tpu.memref_slice %arg8[%dma_wait3A_143] : memref<8192xi32, #tpu.memory_space<vmem>> -> memref<8192xi32, #tpu.memory_space<vmem>>
    %dma_wait3A_145 = tpu.memref_slice %arg4[%add3A_142] : memref<1280128xi32, #tpu.memory_space<vmem_shared>> -> memref<8192xi32, #tpu.memory_space<vmem_shared>>
    %dma_wait3A_146 = tpu.memref_slice %arg4[%add3A_142] : memref<1280128xi32, #tpu.memory_space<vmem_shared>> -> memref<8192xi32, #tpu.memory_space<vmem_shared>>
    %dma_wait3A_147 = arith.constant 0 : i32
    %dma_wait3A_148 = tpu.memref_slice %arg8[%dma_wait3A_147] : memref<8192xi32, #tpu.memory_space<vmem>> -> memref<8192xi32, #tpu.memory_space<vmem>>
    tpu.wait_dma2 semaphore(%arg9 : memref<!tpu.dma_semaphore, #tpu.memory_space<semaphore_mem>>) src(%dma_wait3A_148 : memref<8192xi32, #tpu.memory_space<vmem>>) dst(%dma_wait3A_146 : memref<8192xi32, #tpu.memory_space<vmem_shared>>)
    %add3A_149 = arith.constant 65536 : i32
    %add3A_150 = arith.addi %mul3A_7, %add3A_149 : i32
    %dma_wait3A_151 = arith.constant 0 : i32
    %dma_wait3A_152 = tpu.memref_slice %arg8[%dma_wait3A_151] : memref<8192xi32, #tpu.memory_space<vmem>> -> memref<8192xi32, #tpu.memory_space<vmem>>
    %dma_wait3A_153 = tpu.memref_slice %arg4[%add3A_150] : memref<1280128xi32, #tpu.memory_space<vmem_shared>> -> memref<8192xi32, #tpu.memory_space<vmem_shared>>
    %dma_wait3A_154 = tpu.memref_slice %arg4[%add3A_150] : memref<1280128xi32, #tpu.memory_space<vmem_shared>> -> memref<8192xi32, #tpu.memory_space<vmem_shared>>
    %dma_wait3A_155 = arith.constant 0 : i32
    %dma_wait3A_156 = tpu.memref_slice %arg8[%dma_wait3A_155] : memref<8192xi32, #tpu.memory_space<vmem>> -> memref<8192xi32, #tpu.memory_space<vmem>>
    tpu.wait_dma2 semaphore(%arg9 : memref<!tpu.dma_semaphore, #tpu.memory_space<semaphore_mem>>) src(%dma_wait3A_156 : memref<8192xi32, #tpu.memory_space<vmem>>) dst(%dma_wait3A_154 : memref<8192xi32, #tpu.memory_space<vmem_shared>>)
    %add3A_157 = arith.constant 73728 : i32
    %add3A_158 = arith.addi %mul3A_7, %add3A_157 : i32
    %dma_wait3A_159 = arith.constant 0 : i32
    %dma_wait3A_160 = tpu.memref_slice %arg8[%dma_wait3A_159] : memref<8192xi32, #tpu.memory_space<vmem>> -> memref<6280xi32, #tpu.memory_space<vmem>>
    %dma_wait3A_161 = tpu.memref_slice %arg4[%add3A_158] : memref<1280128xi32, #tpu.memory_space<vmem_shared>> -> memref<6280xi32, #tpu.memory_space<vmem_shared>>
    %dma_wait3A_162 = tpu.memref_slice %arg4[%add3A_158] : memref<1280128xi32, #tpu.memory_space<vmem_shared>> -> memref<6280xi32, #tpu.memory_space<vmem_shared>>
    %dma_wait3A_163 = arith.constant 0 : i32
    %dma_wait3A_164 = tpu.memref_slice %arg8[%dma_wait3A_163] : memref<8192xi32, #tpu.memory_space<vmem>> -> memref<6280xi32, #tpu.memory_space<vmem>>
    tpu.wait_dma2 semaphore(%arg9 : memref<!tpu.dma_semaphore, #tpu.memory_space<semaphore_mem>>) src(%dma_wait3A_164 : memref<6280xi32, #tpu.memory_space<vmem>>) dst(%dma_wait3A_162 : memref<6280xi32, #tpu.memory_space<vmem_shared>>)
    %broadcast_in_dim3A_165 = arith.constant 1 : i32
    %broadcast_in_dim3A_166 = vector.broadcast %broadcast_in_dim3A_165 : i32 to vector<16xi32>
    %swap3A = arith.constant 0 : index
    %swap3A_167 = tpu.vector_load %arg7[%swap3A] {strides = array<i32>} : memref<128xi32, #tpu.memory_space<vmem>>, vector<16xi32>,
    %swap3A_168 = vector.shape_cast %swap3A_167 : vector<16xi32> to vector<16xi32>
    %swap3A_169 = vector.shape_cast %broadcast_in_dim3A_166 : vector<16xi32> to vector<16xi32>
    tpu.vector_store %arg7[%swap3A], %swap3A_169 {strides = array<i32>} : memref<128xi32, #tpu.memory_space<vmem>>, vector<16xi32>,
    %broadcast_in_dim3A_170 = arith.constant 1 : i32
    %broadcast_in_dim3A_171 = vector.broadcast %broadcast_in_dim3A_170 : i32 to vector<16xi32>
    %swap3A_172 = arith.constant 16 : index
    %swap3A_173 = tpu.vector_load %arg7[%swap3A_172] {strides = array<i32>} : memref<128xi32, #tpu.memory_space<vmem>>, vector<16xi32>,
    %swap3A_174 = vector.shape_cast %swap3A_173 : vector<16xi32> to vector<16xi32>
    %swap3A_175 = vector.shape_cast %broadcast_in_dim3A_171 : vector<16xi32> to vector<16xi32>
    tpu.vector_store %arg7[%swap3A_172], %swap3A_175 {strides = array<i32>} : memref<128xi32, #tpu.memory_space<vmem>>, vector<16xi32>,
    %broadcast_in_dim3A_176 = arith.constant 1 : i32
    %broadcast_in_dim3A_177 = vector.broadcast %broadcast_in_dim3A_176 : i32 to vector<16xi32>
    %swap3A_178 = arith.constant 32 : index
    %swap3A_179 = tpu.vector_load %arg7[%swap3A_178] {strides = array<i32>} : memref<128xi32, #tpu.memory_space<vmem>>, vector<16xi32>,
    %swap3A_180 = vector.shape_cast %swap3A_179 : vector<16xi32> to vector<16xi32>
    %swap3A_181 = vector.shape_cast %broadcast_in_dim3A_177 : vector<16xi32> to vector<16xi32>
    tpu.vector_store %arg7[%swap3A_178], %swap3A_181 {strides = array<i32>} : memref<128xi32, #tpu.memory_space<vmem>>, vector<16xi32>,
    %broadcast_in_dim3A_182 = arith.constant 1 : i32
    %broadcast_in_dim3A_183 = vector.broadcast %broadcast_in_dim3A_182 : i32 to vector<16xi32>
    %swap3A_184 = arith.constant 48 : index
    %swap3A_185 = tpu.vector_load %arg7[%swap3A_184] {strides = array<i32>} : memref<128xi32, #tpu.memory_space<vmem>>, vector<16xi32>,
    %swap3A_186 = vector.shape_cast %swap3A_185 : vector<16xi32> to vector<16xi32>
    %swap3A_187 = vector.shape_cast %broadcast_in_dim3A_183 : vector<16xi32> to vector<16xi32>
    tpu.vector_store %arg7[%swap3A_184], %swap3A_187 {strides = array<i32>} : memref<128xi32, #tpu.memory_space<vmem>>, vector<16xi32>,
    %broadcast_in_dim3A_188 = arith.constant 1 : i32
    %broadcast_in_dim3A_189 = vector.broadcast %broadcast_in_dim3A_188 : i32 to vector<16xi32>
    %swap3A_190 = arith.constant 64 : index
    %swap3A_191 = tpu.vector_load %arg7[%swap3A_190] {strides = array<i32>} : memref<128xi32, #tpu.memory_space<vmem>>, vector<16xi32>,
    %swap3A_192 = vector.shape_cast %swap3A_191 : vector<16xi32> to vector<16xi32>
    %swap3A_193 = vector.shape_cast %broadcast_in_dim3A_189 : vector<16xi32> to vector<16xi32>
    tpu.vector_store %arg7[%swap3A_190], %swap3A_193 {strides = array<i32>} : memref<128xi32, #tpu.memory_space<vmem>>, vector<16xi32>,
    %broadcast_in_dim3A_194 = arith.constant 1 : i32
    %broadcast_in_dim3A_195 = vector.broadcast %broadcast_in_dim3A_194 : i32 to vector<16xi32>
    %swap3A_196 = arith.constant 80 : index
    %swap3A_197 = tpu.vector_load %arg7[%swap3A_196] {strides = array<i32>} : memref<128xi32, #tpu.memory_space<vmem>>, vector<16xi32>,
    %swap3A_198 = vector.shape_cast %swap3A_197 : vector<16xi32> to vector<16xi32>
    %swap3A_199 = vector.shape_cast %broadcast_in_dim3A_195 : vector<16xi32> to vector<16xi32>
    tpu.vector_store %arg7[%swap3A_196], %swap3A_199 {strides = array<i32>} : memref<128xi32, #tpu.memory_space<vmem>>, vector<16xi32>,
    %broadcast_in_dim3A_200 = arith.constant 1 : i32
    %broadcast_in_dim3A_201 = vector.broadcast %broadcast_in_dim3A_200 : i32 to vector<16xi32>
    %swap3A_202 = arith.constant 96 : index
    %swap3A_203 = tpu.vector_load %arg7[%swap3A_202] {strides = array<i32>} : memref<128xi32, #tpu.memory_space<vmem>>, vector<16xi32>,
    %swap3A_204 = vector.shape_cast %swap3A_203 : vector<16xi32> to vector<16xi32>
    %swap3A_205 = vector.shape_cast %broadcast_in_dim3A_201 : vector<16xi32> to vector<16xi32>
    tpu.vector_store %arg7[%swap3A_202], %swap3A_205 {strides = array<i32>} : memref<128xi32, #tpu.memory_space<vmem>>, vector<16xi32>,
    %broadcast_in_dim3A_206 = arith.constant 1 : i32
    %broadcast_in_dim3A_207 = vector.broadcast %broadcast_in_dim3A_206 : i32 to vector<16xi32>
    %swap3A_208 = arith.constant 112 : index
    %swap3A_209 = tpu.vector_load %arg7[%swap3A_208] {strides = array<i32>} : memref<128xi32, #tpu.memory_space<vmem>>, vector<16xi32>,
    %swap3A_210 = vector.shape_cast %swap3A_209 : vector<16xi32> to vector<16xi32>
    %swap3A_211 = vector.shape_cast %broadcast_in_dim3A_207 : vector<16xi32> to vector<16xi32>
    tpu.vector_store %arg7[%swap3A_208], %swap3A_211 {strides = array<i32>} : memref<128xi32, #tpu.memory_space<vmem>>, vector<16xi32>,
    %barrier3A = arith.constant 0 : index
    tpu.barrier barrier_id(%barrier3A)
    %mul3A_212 = arith.constant 160 : i32
    %mul3A_213 = arith.muli %arg1, %mul3A_212 : i32
    "tpu.region"() ({
      %run_scoped3A = tpu.sem_alloc : memref<!tpu.dma_semaphore, #tpu.memory_space<semaphore_mem>>
      %dma_start3A_244 = arith.constant 0 : i32
      %dma_start3A_245 = tpu.memref_slice %arg2[%mul3A_213, %dma_start3A_244] : memref<2560x128xi32, #tpu.memory_space<hbm>> -> memref<160x128xi32, #tpu.memory_space<hbm>>
      %dma_start3A_246 = arith.constant 0 : i32
      %dma_start3A_247 = tpu.memref_slice %arg2[%mul3A_213, %dma_start3A_246] : memref<2560x128xi32, #tpu.memory_space<hbm>> -> memref<160x128xi32, #tpu.memory_space<hbm>>
      tpu.enqueue_dma source(%dma_start3A_247 : memref<160x128xi32, #tpu.memory_space<hbm>>) target(%arg5 : memref<160x128xi32, #tpu.memory_space<vmem>>) target_semaphore(%run_scoped3A : memref<!tpu.dma_semaphore, #tpu.memory_space<semaphore_mem>>)
      %dma_wait3A_248 = arith.constant 0 : i32
      %dma_wait3A_249 = tpu.memref_slice %arg2[%mul3A_213, %dma_wait3A_248] : memref<2560x128xi32, #tpu.memory_space<hbm>> -> memref<160x128xi32, #tpu.memory_space<hbm>>
      %dma_wait3A_250 = arith.constant 0 : i32
      %dma_wait3A_251 = tpu.memref_slice %arg2[%mul3A_213, %dma_wait3A_250] : memref<2560x128xi32, #tpu.memory_space<hbm>> -> memref<160x128xi32, #tpu.memory_space<hbm>>
      tpu.wait_dma2 semaphore(%run_scoped3A : memref<!tpu.dma_semaphore, #tpu.memory_space<semaphore_mem>>) src(%dma_wait3A_251 : memref<160x128xi32, #tpu.memory_space<hbm>>) dst(%arg5 : memref<160x128xi32, #tpu.memory_space<vmem>>)
      tpu.yield
    }) : () -> ()
    %scan3A_214 = arith.constant 1280000 : i32
    %scan3A_215 = arith.constant 0 : i32
    %scan3A_216 = arith.constant 0 : i32
    %scan3A_217 = arith.constant 160 : i32
    %scan3A_218 = arith.addi %scan3A_216, %scan3A_217 : i32
    %scan3A_219 = arith.constant 1 : i32
    %scan3A_220 = scf.for %scan3A_244 = %scan3A_216 to %scan3A_218 step %scan3A_219 iter_args(%scan3A_245 = %scan3A_215) -> (i32)  : i32 {
      %get3A = arith.index_cast %scan3A_244 : i32 to index
      %get3A_246 = arith.constant 0 : index
      %get3A_247 = tpu.vector_load %arg5[%get3A, %get3A_246] {strides = array<i32>} : memref<160x128xi32, #tpu.memory_space<vmem>>, vector<1x16xi32>,
      %get3A_248 = vector.shape_cast %get3A_247 : vector<1x16xi32> to vector<16xi32>
      %mul3A_249 = arith.muli %arg0, %scan3A_214 : i32
      %sub3A = vector.broadcast %mul3A_249 : i32 to vector<16xi32>
      %sub3A_250 = arith.subi %get3A_248, %sub3A : vector<16xi32>
      %ge3A = arith.constant 0 : i32
      %ge3A_251 = vector.broadcast %ge3A : i32 to vector<16xi32>
      %ge3A_252 = arith.cmpi sge, %sub3A_250, %ge3A_251 : vector<16xi32>
      %lt3A = vector.broadcast %scan3A_214 : i32 to vector<16xi32>
      %lt3A_253 = arith.cmpi slt, %sub3A_250, %lt3A : vector<16xi32>
      %and3A = arith.andi %ge3A_252, %lt3A_253 : vector<16xi1>
      %select_n3A = arith.select %and3A, %sub3A_250, %broadcast_in_dim3A_0 : vector<16xi1>, vector<16xi32>
      %swap3A_254 = arith.index_cast %scan3A_244 : i32 to index
      %swap3A_255 = arith.constant 0 : index
      %swap3A_256 = tpu.vector_load %arg6[%swap3A_254, %swap3A_255] {strides = array<i32>} : memref<160x128xi32, #tpu.memory_space<vmem>>, vector<1x16xi32>,
      %swap3A_257 = vector.shape_cast %swap3A_256 : vector<1x16xi32> to vector<16xi32>
      %swap3A_258 = vector.shape_cast %select_n3A : vector<16xi32> to vector<1x16xi32>
      tpu.vector_store %arg6[%swap3A_254, %swap3A_255], %swap3A_258 {strides = array<i32>} : memref<160x128xi32, #tpu.memory_space<vmem>>, vector<1x16xi32>,
      %get3A_259 = arith.index_cast %scan3A_244 : i32 to index
      %get3A_260 = arith.constant 16 : index
      %get3A_261 = tpu.vector_load %arg5[%get3A_259, %get3A_260] {strides = array<i32>} : memref<160x128xi32, #tpu.memory_space<vmem>>, vector<1x16xi32>,
      %get3A_262 = vector.shape_cast %get3A_261 : vector<1x16xi32> to vector<16xi32>
      %mul3A_263 = arith.muli %arg0, %scan3A_214 : i32
      %sub3A_264 = vector.broadcast %mul3A_263 : i32 to vector<16xi32>
      %sub3A_265 = arith.subi %get3A_262, %sub3A_264 : vector<16xi32>
      %ge3A_266 = arith.constant 0 : i32
      %ge3A_267 = vector.broadcast %ge3A_266 : i32 to vector<16xi32>
      %ge3A_268 = arith.cmpi sge, %sub3A_265, %ge3A_267 : vector<16xi32>
      %lt3A_269 = vector.broadcast %scan3A_214 : i32 to vector<16xi32>
      %lt3A_270 = arith.cmpi slt, %sub3A_265, %lt3A_269 : vector<16xi32>
      %and3A_271 = arith.andi %ge3A_268, %lt3A_270 : vector<16xi1>
      %select_n3A_272 = arith.select %and3A_271, %sub3A_265, %broadcast_in_dim3A_0 : vector<16xi1>, vector<16xi32>
      %swap3A_273 = arith.index_cast %scan3A_244 : i32 to index
      %swap3A_274 = arith.constant 16 : index
      %swap3A_275 = tpu.vector_load %arg6[%swap3A_273, %swap3A_274] {strides = array<i32>} : memref<160x128xi32, #tpu.memory_space<vmem>>, vector<1x16xi32>,
      %swap3A_276 = vector.shape_cast %swap3A_275 : vector<1x16xi32> to vector<16xi32>
      %swap3A_277 = vector.shape_cast %select_n3A_272 : vector<16xi32> to vector<1x16xi32>
      tpu.vector_store %arg6[%swap3A_273, %swap3A_274], %swap3A_277 {strides = array<i32>} : memref<160x128xi32, #tpu.memory_space<vmem>>, vector<1x16xi32>,
      %get3A_278 = arith.index_cast %scan3A_244 : i32 to index
      %get3A_279 = arith.constant 32 : index
      %get3A_280 = tpu.vector_load %arg5[%get3A_278, %get3A_279] {strides = array<i32>} : memref<160x128xi32, #tpu.memory_space<vmem>>, vector<1x16xi32>,
      %get3A_281 = vector.shape_cast %get3A_280 : vector<1x16xi32> to vector<16xi32>
      %mul3A_282 = arith.muli %arg0, %scan3A_214 : i32
      %sub3A_283 = vector.broadcast %mul3A_282 : i32 to vector<16xi32>
      %sub3A_284 = arith.subi %get3A_281, %sub3A_283 : vector<16xi32>
      %ge3A_285 = arith.constant 0 : i32
      %ge3A_286 = vector.broadcast %ge3A_285 : i32 to vector<16xi32>
      %ge3A_287 = arith.cmpi sge, %sub3A_284, %ge3A_286 : vector<16xi32>
      %lt3A_288 = vector.broadcast %scan3A_214 : i32 to vector<16xi32>
      %lt3A_289 = arith.cmpi slt, %sub3A_284, %lt3A_288 : vector<16xi32>
      %and3A_290 = arith.andi %ge3A_287, %lt3A_289 : vector<16xi1>
      %select_n3A_291 = arith.select %and3A_290, %sub3A_284, %broadcast_in_dim3A_0 : vector<16xi1>, vector<16xi32>
      %swap3A_292 = arith.index_cast %scan3A_244 : i32 to index
      %swap3A_293 = arith.constant 32 : index
      %swap3A_294 = tpu.vector_load %arg6[%swap3A_292, %swap3A_293] {strides = array<i32>} : memref<160x128xi32, #tpu.memory_space<vmem>>, vector<1x16xi32>,
      %swap3A_295 = vector.shape_cast %swap3A_294 : vector<1x16xi32> to vector<16xi32>
      %swap3A_296 = vector.shape_cast %select_n3A_291 : vector<16xi32> to vector<1x16xi32>
      tpu.vector_store %arg6[%swap3A_292, %swap3A_293], %swap3A_296 {strides = array<i32>} : memref<160x128xi32, #tpu.memory_space<vmem>>, vector<1x16xi32>,
      %get3A_297 = arith.index_cast %scan3A_244 : i32 to index
      %get3A_298 = arith.constant 48 : index
      %get3A_299 = tpu.vector_load %arg5[%get3A_297, %get3A_298] {strides = array<i32>} : memref<160x128xi32, #tpu.memory_space<vmem>>, vector<1x16xi32>,
      %get3A_300 = vector.shape_cast %get3A_299 : vector<1x16xi32> to vector<16xi32>
      %mul3A_301 = arith.muli %arg0, %scan3A_214 : i32
      %sub3A_302 = vector.broadcast %mul3A_301 : i32 to vector<16xi32>
      %sub3A_303 = arith.subi %get3A_300, %sub3A_302 : vector<16xi32>
      %ge3A_304 = arith.constant 0 : i32
      %ge3A_305 = vector.broadcast %ge3A_304 : i32 to vector<16xi32>
      %ge3A_306 = arith.cmpi sge, %sub3A_303, %ge3A_305 : vector<16xi32>
      %lt3A_307 = vector.broadcast %scan3A_214 : i32 to vector<16xi32>
      %lt3A_308 = arith.cmpi slt, %sub3A_303, %lt3A_307 : vector<16xi32>
      %and3A_309 = arith.andi %ge3A_306, %lt3A_308 : vector<16xi1>
      %select_n3A_310 = arith.select %and3A_309, %sub3A_303, %broadcast_in_dim3A_0 : vector<16xi1>, vector<16xi32>
      %swap3A_311 = arith.index_cast %scan3A_244 : i32 to index
      %swap3A_312 = arith.constant 48 : index
      %swap3A_313 = tpu.vector_load %arg6[%swap3A_311, %swap3A_312] {strides = array<i32>} : memref<160x128xi32, #tpu.memory_space<vmem>>, vector<1x16xi32>,
      %swap3A_314 = vector.shape_cast %swap3A_313 : vector<1x16xi32> to vector<16xi32>
      %swap3A_315 = vector.shape_cast %select_n3A_310 : vector<16xi32> to vector<1x16xi32>
      tpu.vector_store %arg6[%swap3A_311, %swap3A_312], %swap3A_315 {strides = array<i32>} : memref<160x128xi32, #tpu.memory_space<vmem>>, vector<1x16xi32>,
      %get3A_316 = arith.index_cast %scan3A_244 : i32 to index
      %get3A_317 = arith.constant 64 : index
      %get3A_318 = tpu.vector_load %arg5[%get3A_316, %get3A_317] {strides = array<i32>} : memref<160x128xi32, #tpu.memory_space<vmem>>, vector<1x16xi32>,
      %get3A_319 = vector.shape_cast %get3A_318 : vector<1x16xi32> to vector<16xi32>
      %mul3A_320 = arith.muli %arg0, %scan3A_214 : i32
      %sub3A_321 = vector.broadcast %mul3A_320 : i32 to vector<16xi32>
      %sub3A_322 = arith.subi %get3A_319, %sub3A_321 : vector<16xi32>
      %ge3A_323 = arith.constant 0 : i32
      %ge3A_324 = vector.broadcast %ge3A_323 : i32 to vector<16xi32>
      %ge3A_325 = arith.cmpi sge, %sub3A_322, %ge3A_324 : vector<16xi32>
      %lt3A_326 = vector.broadcast %scan3A_214 : i32 to vector<16xi32>
      %lt3A_327 = arith.cmpi slt, %sub3A_322, %lt3A_326 : vector<16xi32>
      %and3A_328 = arith.andi %ge3A_325, %lt3A_327 : vector<16xi1>
      %select_n3A_329 = arith.select %and3A_328, %sub3A_322, %broadcast_in_dim3A_0 : vector<16xi1>, vector<16xi32>
      %swap3A_330 = arith.index_cast %scan3A_244 : i32 to index
      %swap3A_331 = arith.constant 64 : index
      %swap3A_332 = tpu.vector_load %arg6[%swap3A_330, %swap3A_331] {strides = array<i32>} : memref<160x128xi32, #tpu.memory_space<vmem>>, vector<1x16xi32>,
      %swap3A_333 = vector.shape_cast %swap3A_332 : vector<1x16xi32> to vector<16xi32>
      %swap3A_334 = vector.shape_cast %select_n3A_329 : vector<16xi32> to vector<1x16xi32>
      tpu.vector_store %arg6[%swap3A_330, %swap3A_331], %swap3A_334 {strides = array<i32>} : memref<160x128xi32, #tpu.memory_space<vmem>>, vector<1x16xi32>,
      %get3A_335 = arith.index_cast %scan3A_244 : i32 to index
      %get3A_336 = arith.constant 80 : index
      %get3A_337 = tpu.vector_load %arg5[%get3A_335, %get3A_336] {strides = array<i32>} : memref<160x128xi32, #tpu.memory_space<vmem>>, vector<1x16xi32>,
      %get3A_338 = vector.shape_cast %get3A_337 : vector<1x16xi32> to vector<16xi32>
      %mul3A_339 = arith.muli %arg0, %scan3A_214 : i32
      %sub3A_340 = vector.broadcast %mul3A_339 : i32 to vector<16xi32>
      %sub3A_341 = arith.subi %get3A_338, %sub3A_340 : vector<16xi32>
      %ge3A_342 = arith.constant 0 : i32
      %ge3A_343 = vector.broadcast %ge3A_342 : i32 to vector<16xi32>
      %ge3A_344 = arith.cmpi sge, %sub3A_341, %ge3A_343 : vector<16xi32>
      %lt3A_345 = vector.broadcast %scan3A_214 : i32 to vector<16xi32>
      %lt3A_346 = arith.cmpi slt, %sub3A_341, %lt3A_345 : vector<16xi32>
      %and3A_347 = arith.andi %ge3A_344, %lt3A_346 : vector<16xi1>
      %select_n3A_348 = arith.select %and3A_347, %sub3A_341, %broadcast_in_dim3A_0 : vector<16xi1>, vector<16xi32>
      %swap3A_349 = arith.index_cast %scan3A_244 : i32 to index
      %swap3A_350 = arith.constant 80 : index
      %swap3A_351 = tpu.vector_load %arg6[%swap3A_349, %swap3A_350] {strides = array<i32>} : memref<160x128xi32, #tpu.memory_space<vmem>>, vector<1x16xi32>,
      %swap3A_352 = vector.shape_cast %swap3A_351 : vector<1x16xi32> to vector<16xi32>
      %swap3A_353 = vector.shape_cast %select_n3A_348 : vector<16xi32> to vector<1x16xi32>
      tpu.vector_store %arg6[%swap3A_349, %swap3A_350], %swap3A_353 {strides = array<i32>} : memref<160x128xi32, #tpu.memory_space<vmem>>, vector<1x16xi32>,
      %get3A_354 = arith.index_cast %scan3A_244 : i32 to index
      %get3A_355 = arith.constant 96 : index
      %get3A_356 = tpu.vector_load %arg5[%get3A_354, %get3A_355] {strides = array<i32>} : memref<160x128xi32, #tpu.memory_space<vmem>>, vector<1x16xi32>,
      %get3A_357 = vector.shape_cast %get3A_356 : vector<1x16xi32> to vector<16xi32>
      %mul3A_358 = arith.muli %arg0, %scan3A_214 : i32
      %sub3A_359 = vector.broadcast %mul3A_358 : i32 to vector<16xi32>
      %sub3A_360 = arith.subi %get3A_357, %sub3A_359 : vector<16xi32>
      %ge3A_361 = arith.constant 0 : i32
      %ge3A_362 = vector.broadcast %ge3A_361 : i32 to vector<16xi32>
      %ge3A_363 = arith.cmpi sge, %sub3A_360, %ge3A_362 : vector<16xi32>
      %lt3A_364 = vector.broadcast %scan3A_214 : i32 to vector<16xi32>
      %lt3A_365 = arith.cmpi slt, %sub3A_360, %lt3A_364 : vector<16xi32>
      %and3A_366 = arith.andi %ge3A_363, %lt3A_365 : vector<16xi1>
      %select_n3A_367 = arith.select %and3A_366, %sub3A_360, %broadcast_in_dim3A_0 : vector<16xi1>, vector<16xi32>
      %swap3A_368 = arith.index_cast %scan3A_244 : i32 to index
      %swap3A_369 = arith.constant 96 : index
      %swap3A_370 = tpu.vector_load %arg6[%swap3A_368, %swap3A_369] {strides = array<i32>} : memref<160x128xi32, #tpu.memory_space<vmem>>, vector<1x16xi32>,
      %swap3A_371 = vector.shape_cast %swap3A_370 : vector<1x16xi32> to vector<16xi32>
      %swap3A_372 = vector.shape_cast %select_n3A_367 : vector<16xi32> to vector<1x16xi32>
      tpu.vector_store %arg6[%swap3A_368, %swap3A_369], %swap3A_372 {strides = array<i32>} : memref<160x128xi32, #tpu.memory_space<vmem>>, vector<1x16xi32>,
      %get3A_373 = arith.index_cast %scan3A_244 : i32 to index
      %get3A_374 = arith.constant 112 : index
      %get3A_375 = tpu.vector_load %arg5[%get3A_373, %get3A_374] {strides = array<i32>} : memref<160x128xi32, #tpu.memory_space<vmem>>, vector<1x16xi32>,
      %get3A_376 = vector.shape_cast %get3A_375 : vector<1x16xi32> to vector<16xi32>
      %mul3A_377 = arith.muli %arg0, %scan3A_214 : i32
      %sub3A_378 = vector.broadcast %mul3A_377 : i32 to vector<16xi32>
      %sub3A_379 = arith.subi %get3A_376, %sub3A_378 : vector<16xi32>
      %ge3A_380 = arith.constant 0 : i32
      %ge3A_381 = vector.broadcast %ge3A_380 : i32 to vector<16xi32>
      %ge3A_382 = arith.cmpi sge, %sub3A_379, %ge3A_381 : vector<16xi32>
      %lt3A_383 = vector.broadcast %scan3A_214 : i32 to vector<16xi32>
      %lt3A_384 = arith.cmpi slt, %sub3A_379, %lt3A_383 : vector<16xi32>
      %and3A_385 = arith.andi %ge3A_382, %lt3A_384 : vector<16xi1>
      %select_n3A_386 = arith.select %and3A_385, %sub3A_379, %broadcast_in_dim3A_0 : vector<16xi1>, vector<16xi32>
      %swap3A_387 = arith.index_cast %scan3A_244 : i32 to index
      %swap3A_388 = arith.constant 112 : index
      %swap3A_389 = tpu.vector_load %arg6[%swap3A_387, %swap3A_388] {strides = array<i32>} : memref<160x128xi32, #tpu.memory_space<vmem>>, vector<1x16xi32>,
      %swap3A_390 = vector.shape_cast %swap3A_389 : vector<1x16xi32> to vector<16xi32>
      %swap3A_391 = vector.shape_cast %select_n3A_386 : vector<16xi32> to vector<1x16xi32>
      tpu.vector_store %arg6[%swap3A_387, %swap3A_388], %swap3A_391 {strides = array<i32>} : memref<160x128xi32, #tpu.memory_space<vmem>>, vector<1x16xi32>,
      %scan3A_392 = arith.constant 0 : i32
      scf.yield %scan3A_392 : i32
    }
    %scan3A_221 = arith.constant 160 : i32
    %scan3A_222 = arith.constant 0 : i32
    %scan3A_223 = arith.constant 0 : i32
    %scan3A_224 = arith.constant 160 : i32
    %scan3A_225 = arith.addi %scan3A_223, %scan3A_224 : i32
    %scan3A_226 = arith.constant 1 : i32
    %scan3A_227 = scf.for %scan3A_244 = %scan3A_223 to %scan3A_225 step %scan3A_226 iter_args(%scan3A_245 = %scan3A_222) -> (i32)  : i32 {
      %dma_start3A_246 = arith.constant 0 : i32
      %dma_start3A_247 = tpu.memref_slice %arg6[%scan3A_244, %dma_start3A_246] : memref<160x128xi32, #tpu.memory_space<vmem>> -> memref<1x128xi32, #tpu.memory_space<vmem>>
      %dma_start3A_248 = tpu.memref_squeeze %dma_start3A_247 : memref<1x128xi32, #tpu.memory_space<vmem>> -> memref<128xi32, #tpu.memory_space<vmem>>
      %dma_start3A_249 = arith.constant 0 : i32
      %dma_start3A_250 = tpu.memref_slice %arg4[%dma_start3A_249] : memref<1280128xi32, #tpu.memory_space<vmem_shared>> -> memref<1280128xi32, #tpu.memory_space<vmem_shared>>
      tpu.enqueue_indirect_dma source(%arg7 : memref<128xi32, #tpu.memory_space<vmem>>) target(%dma_start3A_250 : memref<1280128xi32, #tpu.memory_space<vmem_shared>>) offsets(%dma_start3A_248 : memref<128xi32, #tpu.memory_space<vmem>>) semaphore(%arg9 : memref<!tpu.dma_semaphore, #tpu.memory_space<semaphore_mem>>) {add = true}
      %scan3A_251 = arith.constant 0 : i32
      scf.yield %scan3A_251 : i32
    }
    %scan3A_228 = arith.constant 160 : i32
    %scan3A_229 = arith.constant 0 : i32
    %scan3A_230 = arith.constant 0 : i32
    %scan3A_231 = arith.constant 160 : i32
    %scan3A_232 = arith.addi %scan3A_230, %scan3A_231 : i32
    %scan3A_233 = arith.constant 1 : i32
    %scan3A_234 = scf.for %scan3A_244 = %scan3A_230 to %scan3A_232 step %scan3A_233 iter_args(%scan3A_245 = %scan3A_229) -> (i32)  : i32 {
      %dma_wait3A_246 = arith.constant 0 : i32
      %dma_wait3A_247 = tpu.memref_slice %arg6[%scan3A_244, %dma_wait3A_246] : memref<160x128xi32, #tpu.memory_space<vmem>> -> memref<1x128xi32, #tpu.memory_space<vmem>>
      %dma_wait3A_248 = tpu.memref_squeeze %dma_wait3A_247 : memref<1x128xi32, #tpu.memory_space<vmem>> -> memref<128xi32, #tpu.memory_space<vmem>>
      %dma_wait3A_249 = arith.constant 0 : i32
      %dma_wait3A_250 = tpu.memref_slice %arg4[%dma_wait3A_249] : memref<1280128xi32, #tpu.memory_space<vmem_shared>> -> memref<1280128xi32, #tpu.memory_space<vmem_shared>>
      tpu.wait_indirect_dma semaphore(%arg9 : memref<!tpu.dma_semaphore, #tpu.memory_space<semaphore_mem>>) src(%arg7 : memref<128xi32, #tpu.memory_space<vmem>>) dst(%dma_wait3A_250 : memref<1280128xi32, #tpu.memory_space<vmem_shared>>)
      %scan3A_251 = arith.constant 0 : i32
      scf.yield %scan3A_251 : i32
    }
    %scan3A_235 = arith.constant 160 : i32
    %barrier3A_236 = arith.constant 0 : index
    tpu.barrier barrier_id(%barrier3A_236)
    %mul3A_237 = arith.constant 80000 : i32
    %mul3A_238 = arith.muli %arg1, %mul3A_237 : i32
    %mul3A_239 = arith.constant 1280000 : i32
    %mul3A_240 = arith.muli %arg0, %mul3A_239 : i32
    %mul3A_241 = arith.constant 80000 : i32
    %mul3A_242 = arith.muli %arg1, %mul3A_241 : i32
    %add3A_243 = arith.addi %mul3A_240, %mul3A_242 : i32
    "tpu.region"() ({
      %run_scoped3A = tpu.sem_alloc : memref<!tpu.dma_semaphore, #tpu.memory_space<semaphore_mem>>
      %dma_start3A_244 = tpu.memref_slice %arg3[%add3A_243] : memref<2560000xi32, #tpu.memory_space<hbm>> -> memref<80000xi32, #tpu.memory_space<hbm>>
      %dma_start3A_245 = tpu.memref_slice %arg4[%mul3A_238] : memref<1280128xi32, #tpu.memory_space<vmem_shared>> -> memref<80000xi32, #tpu.memory_space<vmem_shared>>
      tpu.enqueue_dma source(%dma_start3A_245 : memref<80000xi32, #tpu.memory_space<vmem_shared>>) target(%dma_start3A_244 : memref<80000xi32, #tpu.memory_space<hbm>>) target_semaphore(%run_scoped3A : memref<!tpu.dma_semaphore, #tpu.memory_space<semaphore_mem>>)
      %dma_wait3A_246 = tpu.memref_slice %arg3[%add3A_243] : memref<2560000xi32, #tpu.memory_space<hbm>> -> memref<80000xi32, #tpu.memory_space<hbm>>
      %dma_wait3A_247 = tpu.memref_slice %arg4[%mul3A_238] : memref<1280128xi32, #tpu.memory_space<vmem_shared>> -> memref<80000xi32, #tpu.memory_space<vmem_shared>>
      tpu.wait_dma2 semaphore(%run_scoped3A : memref<!tpu.dma_semaphore, #tpu.memory_space<semaphore_mem>>) src(%dma_wait3A_247 : memref<80000xi32, #tpu.memory_space<vmem_shared>>) dst(%dma_wait3A_246 : memref<80000xi32, #tpu.memory_space<hbm>>)
      tpu.yield
    }) : () -> ()
    return
  }
}

</mosaic_0001>

<sc_bundles>
// kernel: _sc_counts.3.cloned.1.call-start
scs
__scs_entry_jumppad:
0x0: {  	(pc) =	sbr.rel $0x88, $3  }
0x1: {  	(tag) =	ssettag $0x0;
	lr =	simm.s32 $0x1  }
0x2: {  	[smem:$0x3FA0] =	sst lr;
	_ =	strace $0xD0000000  }
0x3: {  	_ = 	snop  }
0x4: {  	_ = 	snop  }
0x5: {  	_ = 	snop  }
0x6: {  	_ = 	snop  }
0x7: {  	_ = 	snop  }
__scs_overlays_trampoline_lowered:
0x8: {  	[smem:$0x3FAF] =	sst s0  }
0x9: {  	[smem:$0x3FB0] =	sst s1  }
0xa: {  	[smem:$0x3FB1] =	sst s2  }
0xb: {  	[smem:$0x3FB2] =	sst s3  }
0xc: {  	[smem:$0x3FB3] =	sst s4  }
0xd: {  	[smem:$0x3FB4] =	sst s5  }
0xe: {  	[smem:$0x3FB5] =	sst s6  }
0xf: {  	[smem:$0x3FB6] =	sst s7  }
0x10: {  	[smem:$0x3FB7] =	sst s8  }
0x11: {  	[smem:$0x3FB8] =	sst s9;
	s0 =	simm.s32 @!p0 $0x0  }
0x12: {  	s1 =	sld [smem:$0x3F9E];
	s0 =	simm.s32 @p0 $0x1  }
0x13: {  	[smem:$0x3FB9] =	sst s0;
	s0 =	simm.s32 @!p1 $0x0  }
0x14: {  	s2 =	sld [smem:$0x3F9D];
	s0 =	simm.s32 @p1 $0x1  }
0x15: {  	[smem:$0x3FBA] =	sst s0;
	s0 =	simm.s32 @!p2 $0x0  }
0x16: {  	s3 =	sld [smem:$0x3FDB];
	s0 =	simm.s32 @p2 $0x1  }
0x17: {  	s4 =	simm.s32 $0x1BF5;
	[smem:$0x3FBC] =	sst s0  }
0x18: {  	s0 =	sld [smem:$0x3F9F];
	_ =	swait.ge [sflag:s4], $0x0  }
0x19: {  	s7 =	sld [smem:$0x3FA0]  }
0x1a: {  	s8 =	sadd.s32 $0xFFFFE003, lr  }
0x1b: {  	s9 =	sadd.s32 $0xFFFFFEF7, lr;
	s5 =	simm.s32 $0xFFFFFFFF;
	p2 =	slt.u32 s8, $0xFFFFF086  }
0x1c: {  	p1 =	slt.u32 s9, $0xF7A;
	s5 =	simm.s32 @!p2 $0x0  }
0x1d: {  	s5 =	simm.s32 @p1 $0x1;
	p0 =	seq.s32 s7, s2  }
0x1e: {  	s7 =	smul.u32 @!p0 $0xF7A, s2;
	p2 =	seq.s32 @!p0 s5, $0x0  }
0x1f: {  	s9 =	smul.u32 $0xF7A, s1;
	s8 =	simm.s32 @!p0 $0x1BF5;
	p2 =	por !p2, p0  }
0x20: {  	[sflag:s8] =	ssyncset.s32 @!p0 $0xFFFFF086;
	s6 =	sadd.s32 @!p0 s3, s7;
	s7 =	simm.s32 @!p0 $0x108  }
0x21: {  	s3 =	sadd.s32 s3, s9;
	s6 =	sadd.s32 @!p0 $0x88, s6;
	s7 =	simm.s32 @p2 $0x1082  }
0x22: {  	[simem:s7], [sflag:s8] =	dma.local @!p0 [hbm:s6], $0xF7A  }
0x23: {  	s9 =	sor.u32 $0xD0000000, s2;
	s6 =	simm.s32 $0x108;
	_ =	swait.ge @!p0 [sflag:s8], $0x0  }
0x24: {  	s3 =	sadd.s32 $0x88, s3;
	s6 =	simm.s32 @!p1 $0x1082;
	[sflag:s4] =	ssyncset.s32 $0xFFFFF086  }
0x25: {  	[simem:s6], [sflag:s4] =	dma.local [hbm:s3], $0xF7A  }
0x26: {  	[smem:$0x3FA0] =	sst s1;
	(tag) =	ssettag s2;
	_ =	strace s9  }
0x27: {  	s1 =	sld [smem:$0x3FB0]  }
0x28: {  	s2 =	sld [smem:$0x3FB1]  }
0x29: {  	s4 =	sld [smem:$0x3FB3]  }
0x2a: {  	p0 =	seq.s32 s5, $0x0;
	s5 =	sld [smem:$0x3FB4]  }
0x2b: {  	s6 =	sld [smem:$0x3FB5]  }
0x2c: {  	s7 =	sld [smem:$0x3FB6]  }
0x2d: {  	s3 =	simm.s32 $0x108;
	s8 =	sld [smem:$0x3FB7]  }
0x2e: {  	s3 =	simm.s32 @!p0 $0x1082;
	s9 =	sld [smem:$0x3FB8]  }
0x2f: {  	lr =	sadd.s32 s0, s3;
	s0 =	sld [smem:$0x3FAF]  }
0x30: {  	s3 =	sld [smem:$0x3FB2]  }
0x31: {  	[smem:$0x3FBB] =	sst s10  }
0x32: {  	s10 =	sld [smem:$0x3FB9];
	_ =	sdelay $0x3  }
0x33: {  	p0 =	seq.s32 s10, $0x1;
	s10 =	sld [smem:$0x3FBB];
	_ =	sdelay $0x3  }
0x34: {  	[smem:$0x3FBB] =	sst s10  }
0x35: {  	s10 =	sld [smem:$0x3FBA];
	_ =	sdelay $0x3  }
0x36: {  	p1 =	seq.s32 s10, $0x1;
	s10 =	sld [smem:$0x3FBB];
	_ =	sdelay $0x3  }
0x37: {  	[smem:$0x3FBB] =	sst s10  }
0x38: {  	s10 =	sld [smem:$0x3FBC]  }
0x39: {  	_ = 	snop;
	(pc) =	sbr.ind lr, $3  }
0x3a: {  	_ = 	snop  }
0x3b: {  	_ = 	snop  }
0x3c: {  	p2 =	seq.s32 s10, $0x1;
	s10 =	sld [smem:$0x3FBB]  }
0x3d: {  	_ =	shalt  }
0x3e: {  	_ =	shalt  }
0x3f: {  	_ =	shalt  }
0x40: {  	_ =	shalt  }
0x41: {  	_ =	shalt  }
0x42: {  	_ =	shalt  }
0x43: {  	_ =	shalt  }
0x44: {  	_ =	shalt  }
0x45: {  	_ =	shalt  }
0x46: {  	_ =	shalt  }
0x47: {  	_ =	shalt  }
0x48: {  	_ =	shalt  }
0x49: {  	_ =	shalt  }
0x4a: {  	_ =	shalt  }
0x4b: {  	_ =	shalt  }
0x4c: {  	_ =	shalt  }
0x4d: {  	_ =	shalt  }
0x4e: {  	_ =	shalt  }
0x4f: {  	_ =	shalt  }
0x50: {  	_ =	shalt  }
0x51: {  	_ =	shalt  }
0x52: {  	_ =	shalt  }
0x53: {  	_ =	shalt  }
0x54: {  	_ =	shalt  }
0x55: {  	_ =	shalt  }
0x56: {  	_ =	shalt  }
0x57: {  	_ =	shalt  }
0x58: {  	_ =	shalt  }
0x59: {  	_ =	shalt  }
0x5a: {  	_ =	shalt  }
0x5b: {  	_ =	shalt  }
0x5c: {  	_ =	shalt  }
0x5d: {  	_ =	shalt  }
0x5e: {  	_ =	shalt  }
0x5f: {  	_ =	shalt  }
0x60: {  	_ =	shalt  }
0x61: {  	_ =	shalt  }
0x62: {  	_ =	shalt  }
0x63: {  	_ =	shalt  }
0x64: {  	_ =	shalt  }
0x65: {  	_ =	shalt  }
0x66: {  	_ =	shalt  }
0x67: {  	_ =	shalt  }
0x68: {  	_ =	shalt  }
0x69: {  	_ =	shalt  }
0x6a: {  	_ =	shalt  }
0x6b: {  	_ =	shalt  }
0x6c: {  	_ =	shalt  }
0x6d: {  	_ =	shalt  }
0x6e: {  	_ =	shalt  }
0x6f: {  	_ =	shalt  }
0x70: {  	_ =	shalt  }
0x71: {  	_ =	shalt  }
0x72: {  	_ =	shalt  }
0x73: {  	_ =	shalt  }
0x74: {  	_ =	shalt  }
0x75: {  	_ =	shalt  }
0x76: {  	_ =	shalt  }
0x77: {  	_ =	shalt  }
0x78: {  	_ =	shalt  }
0x79: {  	_ =	shalt  }
0x7a: {  	_ =	shalt  }
0x7b: {  	_ =	shalt  }
0x7c: {  	_ =	shalt  }
0x7d: {  	_ =	shalt  }
0x7e: {  	_ =	shalt  }
0x7f: {  	_ =	shalt  }
0x80: {  	_ =	shalt  }
0x81: {  	_ =	shalt  }
0x82: {  	_ =	shalt  }
0x83: {  	_ =	shalt  }
0x84: {  	_ =	shalt  }
0x85: {  	_ =	shalt  }
0x86: {  	_ =	shalt  }
0x87: {  	_ =	shalt  }
.Lfunc_end0:
.L_simem_size_0:
called_computation_lowered:
.L_overlay_start_0:
0x88: {  	s2 =	sld [smem:$0x3FD9]  }
0x89: {  	s3 =	sld [smem:$0x3FFE];
	_ =	sdelay $0x1  }
0x8a: {  	s1 =	srdreg.scid  }
0x8b: {  	s0 =	sand.u32 $0x1, s1  }
0x8c: {  	s18 =	sshll.u32 s0, $0xA;
	s2 =	sadd.s32 s3, s2  }
0x8d: {  	s2 =	sadd.s32 s2, s18  }
0x8e: {  	[smem:$0x3FC7] =	sst s2  }
0x8f: {  	_ = 	snop  }
0x90: {  	s2 =	sld [smem:$0x3FC9]  }
0x91: {  	s19 =	sld [smem:$0x3FD0];
	(tm) =	ssettm $0x1  }
0x92: {  	s4 =	sld [smem:$0x3FFB];
	_ =	sdelay $0x3  }
0x93: {  	_ =	strace s4  }
0x94: {  	s4 =	sld [smem:$0x3FFC];
	_ =	sdelay $0x3  }
0x95: {  	_ =	strace s4  }
0x96: {  	s4 =	sld [smem:$0x3FFD];
	_ =	sdelay $0x3  }
0x97: {  	_ =	strace s4  }
0x98: {  	_ =	strace $0x8FFFFFFF  }
0x99: {  	s20 =	sld [smem:$0x3FDB];
	_ =	sdelay $0x1  }
0x9a: {  	s5 =	simm.s32 $_scs_section_size  }
0x9b: {  	s6 =	simm.s32 $_size__tile_overlayer_lowered;
	s7 =	simm.s32 $_tile_overlayer_lowered  }
0x9c: {  	s23 =	simm.s32 $0x1BFF;
	s22 =	sshll.u32 s7, $0x1;
	s4 =	sadd.s32 s5, s20  }
0x9d: {  	s8 =	simm.s32 $0x0;
	s21 =	sshll.u32 s6, $0x1;
	s6 =	sadd.s32 s22, s4  }
0x9e: {  	[timem:s8], [sflag:s23] =	dma.local [hbm:s6], s21  }
0x9f: {  	_ =	swait.ge [sflag:s23], s21  }
0xa0: {  	s5 =	ssub.s32 $0x0, s21;
	[sflag:s23] =	ssyncset.done $0x0  }
0xa1: {  	[sflag:s23] =	ssyncadd.s32 s5;
	_ =	sdelay $0x1  }
0xa2: {  	s24 =	simm.s32 $0x1B8B  }
0xa3: {  	_ =	swait.ge [sflag:s24], $0x1  }
0xa4: {  	[sflag:s24] =	ssyncset.done $0x0  }
0xa5: {  	s25 =	simm.s32 $0x1B8E;
	[sflag:s24] =	ssyncadd.s32 $0xFFFFFFFF  }
0xa6: {  	s26 =	simm.s32 $execute0_lowered;
	[smem:$0x3FD2] =	sst s25  }
0xa7: {  	s5 =	sshll.u32 s26, $0x1;
	_ =	strace $0x80000046;
	[dreg:$0x1] =	wrdreg $0xFFFFFFFF  }
0xa8: {  	s28 =	simm.s32 $_size_execute0_lowered;
	s4 =	sadd.s32 s4, s5;
	[dreg:$0x0] =	wrdreg $0x0  }
0xa9: {  	s5 =	sshll.u32 s28, $0x1;
	[dreg:$0x2] =	wrdreg s4  }
0xaa: {  	[dreg:$0x3] =	wrdreg s5  }
0xab: {  	[dreg:$0x4] =	wrdreg $0xC0  }
0xac: {  	_ =	task [dreg:s8], $0x5FFFF  }
0xad: {  	[dreg:$0x1] =	wrdreg $0xFFFFFFFF  }
0xae: {  	[dreg:$0x0] =	wrdreg $0x60  }
0xaf: {  	[dreg:$0x2] =	wrdreg s2  }
0xb0: {  	[dreg:$0x3] =	wrdreg s19  }
0xb1: {  	[dreg:$0x4] =	wrdreg $0x0  }
0xb2: {  	[dreg:$0x5] =	wrdreg $0x9  }
0xb3: {  	_ =	task.clear_ibuf [dreg:s8], $0x6FFFF;
	_ =	strace $0x90000046  }
0xb4: {  	s29 =	simm.s32 $0x9;
	_ =	strace $0x80000048  }
0xb5: {  	_ =	swait.ge [sflag:s29], $0x1  }
0xb6: {  	[sflag:s29] =	ssyncadd.s32 $0xFFFFFFFF  }
0xb7: {  	_ =	strace $0x90000048  }
0xb8: {  	_ =	sfence  }
0xb9: {  	s30 =	sld [smem:$0x0];
	_ =	sdelay $0x2  }
0xba: {  	s31 =	sshll.u32 s1, $0xD;
	s1 =	sshrl.u32 s1, $0x2  }
0xbb: {  	s3 =	sand.u32 $0x4000, s31;
	s1 =	sadd.s32 s1, s30  }
0xbc: {  	s0 =	sor.u32 s3, s0;
	s1 =	sshll.u32 s1, $0x11  }
0xbd: {  	s0 =	sor.u32 s1, s0  }
0xbe: {  	s0 =	sadd.s32 $0x8F2B, s0  }
0xbf: {  	[sflag:s0] =	ssyncadd.remote.s32 $0x1  }
0xc0: {  	_ =	sfence.sel $0xFFFF  }
0xc1: {  	[dreg:$0x0] =	wrdreg $0xFFFFFFFF;
	(pc) =	sbr.abs _section_cstart, $3  }
0xc2: {  	[dreg:$0x1] =	wrdreg $0xFFFFFFFF  }
0xc3: {  	_ =	task.clear_ibuf [dreg:s8], $0x2FFFF;
	_ =	strace $0x9FFFFFFF  }
0xc4: {  	(tm) =	ssettm $0x7FFFFFFF  }
0xc5: {  	_ =	shalt  }
tec
execute0_lowered:
.L_overlay_start_1:
0x0: {  	(tag) =	ssettag $0x1  }
0x1: {  	s14 =	rddreg [dreg:$0x0]  }
0x2: {  	s15 =	rddreg [dreg:$0x1]  }
0x3: {  	s2 =	rddreg [dreg:$0x2]  }
0x4: {  	s0 =	rddreg [dreg:$0x3];
	s1 =	stileid.u32  }
0x5: {  	s4 =	srdreg.scid;
	s3 =	simm.s32 $0x0;
	s31 =	smul.u32 $0x4E220, s1  }
0x6: {  	s20 =	simm.s32 $0x2;
	s22 =	simm.s32 $0x1D888;
	s17 =	smul.u32 $0x13880, s1  }
0x7: {  	s5 =	sand.u32 $0x1, s4;
	[smem:$0x7FF] =	sst s3;
	s18 =	smul.u32 $0xA00, s1  }
0x8: {  	s6 =	ssub.s32 $0x2, s5;
	_ =	strace $0x80000047;
	s21 =	smul.u32 $0x138800, s5  }
0x9: {  	s7 =	sshrl.u32 s6, $0x1;
	s4 =	sshrl.u32 s31, $0x2;
	s14 =	sadd.s32 s14, s18  }
0xa: {  	s23 =	sadd.s32 s17, s2;
	s18 =	simm.s32 $0x1;
	s16 =	ssub.s32 s6, s7  }
0xb: {  	s4 =	sadd.s32 s4, s2;
	s13 =	sadd.s32 s17, s21;
	s17 =	simm.s32 $0x1D908  }
0xc: {  	v0 =	vmov s21;
	s21 =	simm.s32 $0x80;
	s23 =	sshrl.u32 s23, $0x3;
	s5 =	sadd.s32 $0x2000, s4  }
0xd: {  	s6 =	sadd.s32 $0x4000, s4;
	s7 =	sadd.s32 $0x6000, s4;
	s8 =	sadd.s32 $0x8000, s4  }
0xe: {  	s9 =	sadd.s32 $0xA000, s4;
	s10 =	sadd.s32 $0xC000, s4;
	s11 =	sadd.s32 $0xE000, s4  }
0xf: {  	s12 =	sadd.s32 $0x10000, s4;
	s19 =	sshrl.u32 s13, $0x3;
	s13 =	sadd.s32 $0x12000, s4  }
0x10: {  	v1 =	vimm.s32 $0x0;
	v2 =	vimm.s32 $0x1;
	s16 =	smax.u32 s16, $0x1;
	s15 =	sadd.s32 s15, s19;
	s19 =	simm.s32 $0x13888  }
.LBB2_1:
0x11: {  	s24 =	simm.s32 $0x40;
	s25 =	simm.s32 $0x0  }
.LBB2_2:
0x12: {  	p0 =	sne.s32 s24, $0x7FC0;
	[tilespmem:s25+$0x1D908] =	vst v1;
	s25 =	smov.u32 s24;
	s24 =	sadd.s32 $0x40, s24  }
.Ltmp0:
0x13: {  	(pc) =	sbr.rel @p0 .LBB2_2-.Ltmp0, $2  }
0x14: {  	_ =	sdelay $0x2  }
0x15: {  	s25 =	sshra.s32 s25, $0x2  }
0x16: {  	[tilespmem:s25+$0x1D908] =	vst v1  }
0x17: {  	[spmem:s4] =	stream.linear.scatter [tilespmem:s17], [sflag:$0x1], $0x2000, $0x38;
	[tilespmem:$0x1F908] =	vst v63  }
0x18: {  	_ = 	snop  }
0x19: {  	[spmem:s5] =	stream.linear.scatter [tilespmem:s17], [sflag:$0x1], $0x2000, $0x38;
	[tilespmem:$0x1F908] =	vst v63  }
0x1a: {  	_ = 	snop  }
0x1b: {  	[spmem:s6] =	stream.linear.scatter [tilespmem:s17], [sflag:$0x1], $0x2000, $0x38;
	[tilespmem:$0x1F908] =	vst v63  }
0x1c: {  	_ = 	snop  }
0x1d: {  	[spmem:s7] =	stream.linear.scatter [tilespmem:s17], [sflag:$0x1], $0x2000, $0x38;
	[tilespmem:$0x1F908] =	vst v63  }
0x1e: {  	_ = 	snop  }
0x1f: {  	[spmem:s8] =	stream.linear.scatter [tilespmem:s17], [sflag:$0x1], $0x2000, $0x38;
	[tilespmem:$0x1F908] =	vst v63  }
0x20: {  	_ = 	snop  }
0x21: {  	[spmem:s9] =	stream.linear.scatter [tilespmem:s17], [sflag:$0x1], $0x2000, $0x38;
	[tilespmem:$0x1F908] =	vst v63  }
0x22: {  	_ = 	snop  }
0x23: {  	[spmem:s10] =	stream.linear.scatter [tilespmem:s17], [sflag:$0x1], $0x2000, $0x38;
	[tilespmem:$0x1F908] =	vst v63  }
0x24: {  	_ = 	snop  }
0x25: {  	[spmem:s11] =	stream.linear.scatter [tilespmem:s17], [sflag:$0x1], $0x2000, $0x38;
	[tilespmem:$0x1F908] =	vst v63  }
0x26: {  	_ = 	snop  }
0x27: {  	[spmem:s12] =	stream.linear.scatter [tilespmem:s17], [sflag:$0x1], $0x2000, $0x38;
	[tilespmem:$0x1F908] =	vst v63  }
0x28: {  	_ = 	snop  }
0x29: {  	[spmem:s13] =	stream.linear.scatter [tilespmem:s17], [sflag:$0x1], $0x1888, $0x38;
	[tilespmem:$0x1F908] =	vst v63  }
0x2a: {  	_ =	swait.ge [sflag:s18], $0x2000  }
0x2b: {  	[sflag:s18] =	ssyncset.done $0x0  }
0x2c: {  	[sflag:s18] =	ssyncadd.s32 $0xFFFFE000  }
0x2d: {  	_ =	swait.ge [sflag:s18], $0x2000  }
0x2e: {  	[sflag:s18] =	ssyncset.done $0x0  }
0x2f: {  	[sflag:s18] =	ssyncadd.s32 $0xFFFFE000  }
0x30: {  	_ =	swait.ge [sflag:s18], $0x2000  }
0x31: {  	[sflag:s18] =	ssyncset.done $0x0  }
0x32: {  	[sflag:s18] =	ssyncadd.s32 $0xFFFFE000  }
0x33: {  	_ =	swait.ge [sflag:s18], $0x2000  }
0x34: {  	[sflag:s18] =	ssyncset.done $0x0  }
0x35: {  	[sflag:s18] =	ssyncadd.s32 $0xFFFFE000  }
0x36: {  	_ =	swait.ge [sflag:s18], $0x2000  }
0x37: {  	[sflag:s18] =	ssyncset.done $0x0  }
0x38: {  	[sflag:s18] =	ssyncadd.s32 $0xFFFFE000  }
0x39: {  	_ =	swait.ge [sflag:s18], $0x2000  }
0x3a: {  	[sflag:s18] =	ssyncset.done $0x0  }
0x3b: {  	[sflag:s18] =	ssyncadd.s32 $0xFFFFE000  }
0x3c: {  	_ =	swait.ge [sflag:s18], $0x2000  }
0x3d: {  	[sflag:s18] =	ssyncset.done $0x0  }
0x3e: {  	[sflag:s18] =	ssyncadd.s32 $0xFFFFE000  }
0x3f: {  	_ =	swait.ge [sflag:s18], $0x2000  }
0x40: {  	[sflag:s18] =	ssyncset.done $0x0  }
0x41: {  	[sflag:s18] =	ssyncadd.s32 $0xFFFFE000  }
0x42: {  	_ =	swait.ge [sflag:s18], $0x2000  }
0x43: {  	[sflag:s18] =	ssyncset.done $0x0  }
0x44: {  	[sflag:s18] =	ssyncadd.s32 $0xFFFFE000  }
0x45: {  	_ =	swait.ge [sflag:s18], $0x1888  }
0x46: {  	[sflag:s18] =	ssyncset.done $0x0  }
0x47: {  	[sflag:s18] =	ssyncadd.s32 $0xFFFFE778  }
0x48: {  	[tilespmem:$0x1D888] =	vst v2  }
0x49: {  	[tilespmem:$0x1D898] =	vst v2  }
0x4a: {  	[tilespmem:$0x1D8A8] =	vst v2  }
0x4b: {  	[tilespmem:$0x1D8B8] =	vst v2  }
0x4c: {  	[tilespmem:$0x1D8C8] =	vst v2  }
0x4d: {  	[tilespmem:$0x1D8D8] =	vst v2  }
0x4e: {  	[tilespmem:$0x1D8E8] =	vst v2  }
0x4f: {  	[tilespmem:$0x1D8F8] =	vst v2  }
0x50: {  	s24 =	simm.s32 $0x0;
	[bflag:$0x0] =	sbarrier.arrive $0xFFFF  }
0x51: {  	[tilespmem:s19], [sflag:$0x2] =	stream.linear.gather [hbm4b:s14+s24], $0x5000, $0x38;
	[tilespmem:$0x1F908] =	vst v63  }
0x52: {  	_ =	swait.ge [sflag:s20], $0x5000  }
0x53: {  	[sflag:s20] =	ssyncset.done $0x0  }
0x54: {  	s26 =	simm.s32 $0x0;
	[sflag:s20] =	ssyncadd.s32 $0xFFFFB000  }
0x55: {  	v3 =	vld [tilespmem:s26+$0x138F8]  }
0x56: {  	v5 =	vld [tilespmem:s26+$0x13888]  }
0x57: {  	v9 =	vld [tilespmem:s26+$0x13898]  }
0x58: {  	v7 =	vld [tilespmem:s26+$0x138A8]  }
0x59: {  	v6 =	vld [tilespmem:s26+$0x138B8]  }
0x5a: {  	v4 =	vld [tilespmem:s26+$0x138C8];
	v8 =	vsub.s32 v3, v0  }
0x5b: {  	v3 =	vld [tilespmem:s26+$0x138D8];
	v10 =	vsub.s32 v5, v0;
	v11 =	vmin.u32 v8, $0x138800  }
0x5c: {  	s25 =	simm.s32 $0x80;
	s28 =	simm.s32 $0x400;
	v5 =	vld [tilespmem:s26+$0x138E8];
	v9 =	vsub.s32 v9, v0;
	v8 =	vmin.u32 v10, $0x138800;
	[tilespmem:s26+$0x188F8] =	vst v11  }
.LBB2_4:
0x5d: {  	p0 =	sne.s32 s28, $0x13E00;
	v10 =	vld [tilespmem:s25+$0x138F8];
	[tilespmem:s26+$0x18888] =	vst v8;
	v8 =	vmin.u32 v9, $0x138800;
	v7 =	vsub.s32 v7, v0  }
0x5e: {  	v9 =	vld [tilespmem:s25+$0x13888];
	[tilespmem:s26+$0x18898] =	vst v8;
	v7 =	vmin.u32 v7, $0x138800;
	v6 =	vsub.s32 v6, v0  }
0x5f: {  	v11 =	vld [tilespmem:s25+$0x13898];
	[tilespmem:s26+$0x188A8] =	vst v7;
	v6 =	vmin.u32 v6, $0x138800;
	v4 =	vsub.s32 v4, v0  }
.Ltmp1:
0x60: {  	v7 =	vld [tilespmem:s25+$0x138A8];
	[tilespmem:s26+$0x188B8] =	vst v6;
	v4 =	vmin.u32 v4, $0x138800;
	v3 =	vsub.s32 v3, v0;
	(pc) =	sbr.rel @p0 .LBB2_4-.Ltmp1, $4  }
0x61: {  	v6 =	vld [tilespmem:s25+$0x138B8];
	[tilespmem:s26+$0x188C8] =	vst v4;
	v3 =	vmin.u32 v3, $0x138800;
	v5 =	vsub.s32 v5, v0  }
0x62: {  	v4 =	vld [tilespmem:s25+$0x138C8];
	v8 =	vsub.s32 v10, v0;
	[tilespmem:s26+$0x188D8] =	vst v3;
	v5 =	vmin.u32 v5, $0x138800  }
0x63: {  	v9 =	vsub.s32 v9, v0;
	v3 =	vld [tilespmem:s25+$0x138D8];
	v10 =	vmin.u32 v8, $0x138800;
	[tilespmem:s26+$0x188E8] =	vst v5;
	s26 =	smov.u32 s25  }
0x64: {  	s25 =	sshra.s32 s28, $0x2;
	s28 =	sadd.s32 $0x200, s28;
	v8 =	vmin.u32 v9, $0x138800;
	v9 =	vsub.s32 v11, v0;
	v5 =	vld [tilespmem:s26+$0x138E8];
	[tilespmem:s26+$0x188F8] =	vst v10  }
0x65: {  	v10 =	vld [tilespmem:s25+$0x138F8];
	[tilespmem:s26+$0x18888] =	vst v8;
	v57 =	vmin.u32 v9, $0x138800;
	v7 =	vsub.s32 v7, v0  }
0x66: {  	v58 =	vld [tilespmem:s25+$0x13888];
	[tilespmem:s26+$0x18898] =	vst v57;
	v7 =	vmin.u32 v7, $0x138800;
	v6 =	vsub.s32 v6, v0  }
0x67: {  	v8 =	vld [tilespmem:s25+$0x13898];
	[tilespmem:s26+$0x188A8] =	vst v7;
	v6 =	vmin.u32 v6, $0x138800;
	v4 =	vsub.s32 v4, v0  }
0x68: {  	v7 =	vld [tilespmem:s25+$0x138A8];
	[tilespmem:s26+$0x188B8] =	vst v6;
	v4 =	vmin.u32 v4, $0x138800;
	v3 =	vsub.s32 v3, v0  }
0x69: {  	v6 =	vld [tilespmem:s25+$0x138B8];
	[tilespmem:s26+$0x188C8] =	vst v4;
	v3 =	vmin.u32 v3, $0x138800;
	v5 =	vsub.s32 v5, v0  }
0x6a: {  	v4 =	vld [tilespmem:s25+$0x138C8];
	[tilespmem:s26+$0x188D8] =	vst v3;
	v3 =	vmin.u32 v5, $0x138800;
	v10 =	vsub.s32 v10, v0  }
0x6b: {  	v59 =	vld [tilespmem:s25+$0x138D8];
	[tilespmem:s26+$0x188E8] =	vst v3;
	v3 =	vsub.s32 v58, v0;
	v60 =	vmin.u32 v10, $0x138800  }
0x6c: {  	v61 =	vld [tilespmem:s25+$0x138E8];
	v3 =	vmin.u32 v3, $0x138800;
	v8 =	vsub.s32 v8, v0;
	[tilespmem:s25+$0x188F8] =	vst v60  }
0x6d: {  	[tilespmem:s25+$0x18888] =	vst v3;
	v3 =	vmin.u32 v8, $0x138800;
	v7 =	vsub.s32 v7, v0  }
0x6e: {  	[tilespmem:s25+$0x18898] =	vst v3;
	v3 =	vmin.u32 v7, $0x138800;
	v6 =	vsub.s32 v6, v0  }
0x6f: {  	[tilespmem:s25+$0x188A8] =	vst v3;
	v3 =	vmin.u32 v6, $0x138800;
	v4 =	vsub.s32 v4, v0  }
0x70: {  	[tilespmem:s25+$0x188B8] =	vst v3;
	v3 =	vmin.u32 v4, $0x138800;
	v62 =	vsub.s32 v59, v0  }
0x71: {  	[tilespmem:s25+$0x188C8] =	vst v3;
	v3 =	vmin.u32 v62, $0x138800;
	v63 =	vsub.s32 v61, v0  }
0x72: {  	[tilespmem:s25+$0x188D8] =	vst v3;
	v3 =	vmin.u32 v63, $0x138800  }
0x73: {  	[tilespmem:s25+$0x188E8] =	vst v3  }
.LBB2_6:
0x74: {  	p0 =	sne.s32 s24, $0x13E00  }
.Ltmp2:
0x75: {  	_ = 	snop;
	(pc) =	sbr.rel @p0 .LBB2_6-.Ltmp2, $4  }
0x76: {  	_ = 	snop  }
0x77: {  	s25 =	sshra.s32 s24, $0x2  }
0x78: {  	s24 =	sadd.s32 $0x200, s24;
	s25 =	sadd.s32 $0x18888, s25  }
0x79: {  	[spmem:s2] =	stream.indirect.scatter.add.s32 [tilespmem:s22], [sflag:$0x1], $0x1, s25, s21, $0xb8;
	[tilespmem:$0x1F908] =	vst v63  }
0x7a: {  	_ =	swait.ge [sflag:s18], $0x80  }
0x7b: {  	s24 =	simm.s32 $0x9F;
	[sflag:s18] =	ssyncset.done $0x0  }
.LBB2_8:
0x7c: {  	p0 =	sne.s32 s24, $0x1;
	s24 =	sadd.s32 $0xFFFFFFFF, s24;
	[sflag:s18] =	ssyncadd.s32 $0xFFFFFF80  }
.Ltmp3:
0x7d: {  	(pc) =	sbr.rel @p0 .LBB2_8-.Ltmp3, $3  }
0x7e: {  	_ =	sdelay $0x1  }
0x7f: {  	_ =	swait.ge [sflag:s18], $0x80  }
0x80: {  	[sflag:s18] =	ssyncset.done $0x0  }
0x81: {  	s3 =	sadd.s32 $0x1, s3  }
0x82: {  	[sflag:s18] =	ssyncadd.s32 $0xFFFFFF80;
	s24 =	sshll.u32 s1, $0x6;
	p0 =	sne.s32 s3, s16  }
.Ltmp4:
0x83: {  	[bflag:$0x0] =	sbarrier.arrive $0xFFFF;
	s24 =	sor.u32 $0x1C02, s24;
	(pc) =	sbr.rel @p0 .LBB2_1-.Ltmp4, $4  }
0x84: {  	[hbm:s15], [sflag:s24] =	dma.local [spmem:s23], $0x2710  }
0x85: {  	_ =	swait.ge [sflag:s20], $0x2710  }
0x86: {  	[sflag:s20] =	ssyncset.done $0x0  }
0x87: {  	[sflag:s20] =	ssyncadd.s32 $0xFFFFD8F0  }
0x88: {  	_ =	sfence.sel $0x180000  }
0x89: {  	[bflag:$0x0] =	sbarrier.arrive $0xFFFF  }
0x8a: {  	p0 =	sne.s32 s1, $0x0;
	_ =	strace $0x90000047  }
0x8b: {  	s0 =	sadd.s32 @!p0 $0x100000, s0;
	[bflag:$0x2] =	sbarrier.arrive $0xFFFF  }
0x8c: {  	[sflag:s0] =	ssyncadd.tile.s32 @!p0 $0x1;
	_ =	shalt  }
.Lfunc_end2:
_tile_overlayer_lowered:
.L_overlay_start_2:
0x8d: {  	(tag) =	ssettag $0x2  }
0x8e: {  	s0 =	rddreg [dreg:$0x0];
	s2 =	stileid.u32  }
0x8f: {  	s1 =	rddreg [dreg:$0x1];
	p0 =	sne.s32 s2, $0x0  }
0x90: {  	s3 =	rddreg [dreg:$0x2];
	[bflag:$0x3] =	sbarrier.arrive $0xFFFF;
	s2 =	simm.s32 @!p0 $0x1C02  }
0x91: {  	[timem:s3], [sflag:s2] =	dma.local @!p0 [hbm:s0], s1  }
0x92: {  	s0 =	simm.s32 @!p0 $0x2  }
0x93: {  	_ =	swait.ge @!p0 [sflag:s0], s1  }
0x94: {  	s1 =	ssub.s32 @!p0 $0x0, s1;
	[sflag:s0] =	ssyncset.done @!p0 $0x0  }
0x95: {  	[sflag:s0] =	ssyncadd.s32 @!p0 s1  }
0x96: {  	[bflag:$0x3] =	sbarrier.arrive $0xFFFF  }
0x97: {  	_ =	shalt  }

</sc_bundles>
